<compile_context>
chip_gen: v7x
topology: tpu7x:2x2x1
jax: 0.10.2.dev20260603
libtpu: 0.0.44.dev20260713+nightly
codegen_flags: <defaults>
</compile_context>

<pallas_src>
import functools

import jax
import jax.numpy as jnp
from jax import lax
from jax.experimental import pallas as pl
from jax.experimental.pallas import tpu as pltpu
from jax.experimental.pallas import tpu_sc as plsc

N = 10000
D_IN = 128
D_H = 256
D_OUT = 128
P = 3
L = 4
B = 1024

NPAD = 10240
TM = 200
TK = 2048
BIGI = 2 ** 30


def _xw_body(x_ref, w_ref, o_ref):
    o_ref[...] = jnp.dot(x_ref[...], w_ref[...],
                         preferred_element_type=jnp.float32)


def _small_matmul(x, w, tm):
    m, k = x.shape
    n = w.shape[1]
    return pl.pallas_call(
        _xw_body,
        grid=(m // tm,),
        in_specs=[pl.BlockSpec((tm, k), lambda i: (i, 0)),
                  pl.BlockSpec((k, n), lambda i: (0, 0))],
        out_specs=pl.BlockSpec((tm, n), lambda i: (i, 0)),
        out_shape=jax.ShapeDtypeStruct((m, n), jnp.float32),
    )(x, w)


def _top3_tile(a, iota):
    vals, idxs = [], []
    for _ in range(3):
        m = jnp.max(a, axis=1, keepdims=True)
        ii = jnp.min(jnp.where(a == m, iota, BIGI), axis=1, keepdims=True)
        vals.append(m)
        idxs.append(ii)
        a = jnp.where(iota == ii, -1.0, a)
    return vals, idxs


def _merge3(cv, ci):
    nv, ni = [], []
    for _ in range(3):
        m = jnp.max(cv, axis=1, keepdims=True)
        ii = jnp.min(jnp.where(cv == m, ci, BIGI), axis=1, keepdims=True)
        nv.append(m)
        ni.append(ii)
        cv = jnp.where(ci == ii, -1.0, cv)
    return nv, ni


def _mm1_body(adj_ref, xw1_ref, b1_ref, h1_ref, top3_ref):
    a = adj_ref[...]
    acc = jnp.dot(a, xw1_ref[...], preferred_element_type=jnp.float32)
    h1_ref[...] = jnp.maximum(acc + b1_ref[...], 0.0)
    tv, ti = None, None
    for w in range(0, NPAD, TK):
        iota = lax.broadcasted_iota(jnp.int32, (TM, TK), 1) + w
        vals, idxs = _top3_tile(a[:, w:w + TK], iota)
        if tv is None:
            tv, ti = vals, idxs
        else:
            cv = jnp.concatenate(tv + vals, axis=1)
            ci = jnp.concatenate(ti + idxs, axis=1)
            tv, ti = _merge3(cv, ci)
    pad = jnp.full((TM, 5), BIGI, jnp.int32)
    top3_ref[...] = jnp.concatenate(ti + [pad], axis=1)


def _mm2_body(adj_ref, hw_ref, b2_ref, emb_ref):
    emb_ref[...] = jnp.dot(adj_ref[...], hw_ref[...],
                           preferred_element_type=jnp.float32) + b2_ref[...]


def _gcn_top3(adj_p, xw1, hw_fn, b1_2d, b2_2d):
    grid = (N // TM,)
    h1, top3 = pl.pallas_call(
        _mm1_body,
        grid=grid,
        in_specs=[pl.BlockSpec((TM, NPAD), lambda i: (i, 0)),
                  pl.BlockSpec((NPAD, D_H), lambda i: (0, 0)),
                  pl.BlockSpec((1, D_H), lambda i: (0, 0))],
        out_specs=[pl.BlockSpec((TM, D_H), lambda i: (i, 0)),
                   pl.BlockSpec((TM, 8), lambda i: (i, 0))],
        out_shape=[jax.ShapeDtypeStruct((N, D_H), jnp.float32),
                   jax.ShapeDtypeStruct((N, 8), jnp.int32)],
        compiler_params=pltpu.CompilerParams(
            dimension_semantics=("arbitrary",)),
    )(adj_p, xw1, b1_2d)

    hw = hw_fn(h1)
    hw_p = jnp.pad(hw, ((0, NPAD - N), (0, 0)))
    emb = pl.pallas_call(
        _mm2_body,
        grid=grid,
        in_specs=[pl.BlockSpec((TM, NPAD), lambda i: (i, 0)),
                  pl.BlockSpec((NPAD, D_OUT), lambda i: (0, 0)),
                  pl.BlockSpec((1, D_OUT), lambda i: (0, 0))],
        out_specs=pl.BlockSpec((TM, D_OUT), lambda i: (i, 0)),
        out_shape=jax.ShapeDtypeStruct((N, D_OUT), jnp.float32),
        compiler_params=pltpu.CompilerParams(
            dimension_semantics=("arbitrary",)),
    )(adj_p, hw_p, b2_2d)
    return emb, top3


def _sc_gather(emb, t30, t31, t32, u, v):
    info = plsc.get_sparse_core_info()
    nc, ns = info.num_cores, info.num_subcores
    nw = nc * ns
    bpw = B // nw
    mesh = plsc.VectorSubcoreMesh(core_axis_name="c", subcore_axis_name="s")

    @functools.partial(
        pl.kernel, mesh=mesh,
        out_type=jax.ShapeDtypeStruct((8, B, D_OUT), jnp.float32),
        scratch_types=[
            pltpu.VMEM((bpw,), jnp.int32),
            pltpu.VMEM((bpw,), jnp.int32),
            pltpu.VMEM((bpw,), jnp.int32),
            pltpu.VMEM((bpw,), jnp.int32),
            pltpu.VMEM((bpw,), jnp.int32),
            pltpu.VMEM((bpw,), jnp.int32),
            pltpu.VMEM((bpw,), jnp.int32),
            pltpu.VMEM((bpw,), jnp.int32),
            pltpu.VMEM((bpw, D_OUT), jnp.float32),
            pltpu.SemaphoreType.DMA,
        ],
    )
    def k(emb_hbm, t30_hbm, t31_hbm, t32_hbm, u_hbm, v_hbm, out_hbm,
          u_v, v_v, a0, a1, a2, b0, b1_, b2_, rows_v, sem):
        wid = lax.axis_index("s") * nc + lax.axis_index("c")
        base = wid * bpw
        pltpu.sync_copy(u_hbm.at[pl.ds(base, bpw)], u_v)
        pltpu.sync_copy(v_hbm.at[pl.ds(base, bpw)], v_v)
        pltpu.async_copy(t30_hbm.at[u_v], a0, sem).wait()
        pltpu.async_copy(t31_hbm.at[u_v], a1, sem).wait()
        pltpu.async_copy(t32_hbm.at[u_v], a2, sem).wait()
        pltpu.async_copy(t30_hbm.at[a0], b0, sem).wait()
        pltpu.async_copy(t31_hbm.at[a1], b1_, sem).wait()
        pltpu.async_copy(t32_hbm.at[a2], b2_, sem).wait()
        for j, idxv in enumerate([u_v, v_v, a0, a1, a2, b0, b1_, b2_]):
            pltpu.async_copy(emb_hbm.at[idxv], rows_v, sem).wait()
            pltpu.sync_copy(rows_v, out_hbm.at[j, pl.ds(base, bpw)])

    return k(emb, t30, t31, t32, u, v)


def _tail_body(rows_ref, wq_ref, wk_ref, fcw_ref, fcb_ref, out_ref):
    emb_u = rows_ref[0]
    emb_v = rows_ref[1]
    uv = emb_u + emb_v
    pooled = [(uv + rows_ref[2 + p] + rows_ref[5 + p]) * 0.25
              for p in range(P)]
    q_u = jnp.dot(emb_u, wq_ref[...], preferred_element_type=jnp.float32)
    q_v = jnp.dot(emb_v, wq_ref[...], preferred_element_type=jnp.float32)
    ks = [jnp.dot(pooled[p], wk_ref[...], preferred_element_type=jnp.float32)
          for p in range(P)]
    scale = 1.0 / jnp.sqrt(jnp.float32(D_OUT))

    def attend(q):
        s = [jnp.sum(q * ks[p], axis=1, keepdims=True) * scale
             for p in range(P)]
        m = jnp.maximum(jnp.maximum(s[0], s[1]), s[2])
        e = [jnp.exp(s[p] - m) for p in range(P)]
        den = e[0] + e[1] + e[2]
        ctx = sum(e[p] * pooled[p] for p in range(P)) / den
        return ctx

    hu = emb_u + attend(q_u)
    hv = emb_v + attend(q_v)
    wu = fcw_ref[0, :D_OUT][None, :]
    wv = fcw_ref[0, D_OUT:][None, :]
    res = (jnp.sum(hu * wu, axis=1) + jnp.sum(hv * wv, axis=1)
           + fcb_ref[0, 0])
    out_ref[0, :] = res


def _tail(rows8, wq, wk, fcw_2d, fcb_2d):
    return pl.pallas_call(
        _tail_body,
        out_shape=jax.ShapeDtypeStruct((1, B), jnp.float32),
    )(rows8, wq, wk, fcw_2d, fcb_2d)


def kernel(x, u, v, adj, W1, b1, W2, b2, Wq, Wk, fc_W, fc_b):
    adj_p = jnp.pad(adj, ((0, 0), (0, NPAD - N)))
    x_p = jnp.pad(x, ((0, NPAD - N), (0, 0)))
    xw1 = _small_matmul(x_p, W1, 512)
    emb, top3 = _gcn_top3(
        adj_p, xw1,
        lambda h1: _small_matmul(h1, W2, TM),
        b1.reshape(1, -1), b2.reshape(1, -1))
    t30 = top3[:, 0]
    t31 = top3[:, 1]
    t32 = top3[:, 2]
    rows8 = _sc_gather(emb, t30, t31, t32,
                       u.astype(jnp.int32), v.astype(jnp.int32))
    out = _tail(rows8, Wq, Wk, fc_W.reshape(1, -1), fc_b.reshape(1, 1))
    return out[0]

# --- scband reference (transcript-rebuilt; emitter-appended) ---
"""Pipeline reference for scband-deep-nt-63934883168608 (READ-ONLY COPY).

The authoritative reference and input builder live on the scoring server;
editing this copy changes nothing except your own understanding.
"""

import jax, jax.numpy as jnp
import numpy as np

N = 10000
D_IN = 128
D_H = 256
D_OUT = 128
P = 3  # num_paths
L = 4  # max path length
B = 1024


def setup_inputs(seed: int = 0) -> dict:
    key = jax.random.key(seed)
    ks = jax.random.split(key, 12)
    x = jax.random.normal(ks[0], (N, D_IN), dtype=jnp.float32)
    adj = jax.random.uniform(ks[1], (N, N), dtype=jnp.float32)
    u = jax.random.randint(ks[2], (B,), 0, N)
    v = jax.random.randint(ks[3], (B,), 0, N)
    def init_w(k, shp, fan):
        return (jax.random.normal(k, shp, dtype=jnp.float32) / np.sqrt(fan)).astype(jnp.float32)
    W1 = init_w(ks[4], (D_IN, D_H), D_IN)
    b1 = jnp.zeros((D_H,), jnp.float32)
    W2 = init_w(ks[5], (D_H, D_OUT), D_H)
    b2 = jnp.zeros((D_OUT,), jnp.float32)
    Wq = init_w(ks[6], (D_OUT, D_OUT), D_OUT)
    Wk = init_w(ks[7], (D_OUT, D_OUT), D_OUT)
    fc_W = init_w(ks[8], (2 * D_OUT, 1), 2 * D_OUT)
    fc_b = jnp.zeros((1,), jnp.float32)
    return {"x": x, "u": u, "v": v, "adj": adj, "W1": W1, "b1": b1,
            "W2": W2, "b2": b2, "Wq": Wq, "Wk": Wk, "fc_W": fc_W, "fc_b": fc_b}


def _gcn(x, adj, W1, b1, W2, b2):
    h = jax.nn.relu(adj @ (x @ W1) + b1)
    h = adj @ (h @ W2) + b2
    return h


def _sample_paths(adj, u, v):
    # Deterministic stand-in for batch_random_sample_paths: P walks of length L
    # starting at u, stepping to the p-th strongest neighbor, terminating at v.
    Bb = u.shape[0]
    cur = jnp.broadcast_to(u[:, None], (Bb, P))
    cols = [cur]
    pa = jnp.arange(P)
    for _ in range(L - 2):
        rows = adj[cur]                      # [B, P, N]
        _, idx = jax.lax.top_k(rows, P)      # [B, P, P]
        cur = idx[:, pa, pa]                 # p-th path takes p-th best neighbor
        cols.append(cur)
    cols.append(jnp.broadcast_to(v[:, None], (Bb, P)))
    paths = jnp.stack(cols, axis=-1)         # [B, P, L]
    lengths = jnp.full((Bb, P), L, dtype=jnp.int32)
    return paths, lengths


def _attention(h, pemb, lengths, Wq, Wk):
    # pool each path over its (masked) length, then attend h over the P paths
    mask = (jnp.arange(L)[None, None, :] < lengths[:, :, None]).astype(pemb.dtype)
    denom = jnp.maximum(lengths[..., None].astype(pemb.dtype), 1.0)
    pooled = (pemb * mask[..., None]).sum(axis=2) / denom   # [B, P, d]
    q = h @ Wq                                              # [B, d]
    k = pooled @ Wk                                         # [B, P, d]
    scores = jnp.einsum('bd,bpd->bp', q, k) / np.sqrt(float(D_OUT))
    alpha = jax.nn.softmax(scores, axis=-1)
    ctx = jnp.einsum('bp,bpd->bd', alpha, pooled)
    return h + ctx


def reference(x, u, v, adj, W1, b1, W2, b2, Wq, Wk, fc_W, fc_b):
    emb = _gcn(x, adj, W1, b1, W2, b2)                      # [N, D_OUT]
    paths, lengths = _sample_paths(jax.lax.stop_gradient(adj), u, v)
    pemb = emb[paths]                                       # [B, P, L, D_OUT]
    hu = _attention(emb[u], pemb, lengths, Wq, Wk)
    hv = _attention(emb[v], pemb, lengths, Wq, Wk)
    concat = jnp.concatenate([hu, hv], axis=-1)             # [B, 2*D_OUT]
    out = concat @ fc_W + fc_b                              # [B, 1]
    return out.squeeze(-1)

if __name__ == "__main__":
    import jax
    _d = setup_inputs()
    print(jax.jit(kernel)(*tuple(_d.values())))

</pallas_src>

<mosaic_0001>
#map = affine_map<(d0, d1) -> (0, 0)>
#map1 = affine_map<(d0, d1) -> (0)>
#map2 = affine_map<(d0, d1) -> (0, 0, 0)>
module attributes {stable_mosaic.version = 14 : i64} {
  func.func @k(%arg0: i32, %arg1: i32, %arg2: memref<10000x128xf32, #tpu.memory_space<hbm>>, %arg3: memref<10000xi32, #tpu.memory_space<hbm>>, %arg4: memref<10000xi32, #tpu.memory_space<hbm>>, %arg5: memref<10000xi32, #tpu.memory_space<hbm>>, %arg6: memref<1024xi32, #tpu.memory_space<hbm>>, %arg7: memref<1024xi32, #tpu.memory_space<hbm>>, %arg8: memref<8x1024x128xf32, #tpu.memory_space<hbm>>, %arg9: memref<32xi32, #tpu.memory_space<vmem>>, %arg10: memref<32xi32, #tpu.memory_space<vmem>>, %arg11: memref<32xi32, #tpu.memory_space<vmem>>, %arg12: memref<32xi32, #tpu.memory_space<vmem>>, %arg13: memref<32xi32, #tpu.memory_space<vmem>>, %arg14: memref<32xi32, #tpu.memory_space<vmem>>, %arg15: memref<32xi32, #tpu.memory_space<vmem>>, %arg16: memref<32xi32, #tpu.memory_space<vmem>>, %arg17: memref<32x128xf32, #tpu.memory_space<vmem>>, %arg18: memref<!tpu.dma_semaphore, #tpu.memory_space<semaphore_mem>>) attributes {dimension_semantics = [#tpu.dimension_semantics<core_parallel>, #tpu.dimension_semantics<subcore_parallel>], iteration_bounds = array<i64: 2, 16>, scalar_prefetch = 0 : i64, scratch_operands = 10 : i64, tpu.core_type = #tpu.core_type<sc_vector_subcore>, window_params = [{transform_indices = #map}, {transform_indices = #map1}, {transform_indices = #map1}, {transform_indices = #map1}, {transform_indices = #map1}, {transform_indices = #map1}, {transform_indices = #map2}]} {
    %mul3A = arith.constant 2 : i32
    %mul3A_0 = arith.muli %arg1, %mul3A : i32
    %add3A = arith.addi %mul3A_0, %arg0 : i32
    %mul3A_1 = arith.constant 32 : i32
    %mul3A_2 = arith.muli %add3A, %mul3A_1 : i32
    "tpu.region"() ({
      %run_scoped3A_80 = tpu.sem_alloc : memref<!tpu.dma_semaphore, #tpu.memory_space<semaphore_mem>>
      %dma_start3A_81 = tpu.memref_slice %arg6[%mul3A_2] : memref<1024xi32, #tpu.memory_space<hbm>> -> memref<32xi32, #tpu.memory_space<hbm>>
      %dma_start3A_82 = tpu.memref_slice %arg6[%mul3A_2] : memref<1024xi32, #tpu.memory_space<hbm>> -> memref<32xi32, #tpu.memory_space<hbm>>
      tpu.enqueue_dma source(%dma_start3A_82 : memref<32xi32, #tpu.memory_space<hbm>>) target(%arg9 : memref<32xi32, #tpu.memory_space<vmem>>) target_semaphore(%run_scoped3A_80 : memref<!tpu.dma_semaphore, #tpu.memory_space<semaphore_mem>>)
      %dma_wait3A_83 = tpu.memref_slice %arg6[%mul3A_2] : memref<1024xi32, #tpu.memory_space<hbm>> -> memref<32xi32, #tpu.memory_space<hbm>>
      %dma_wait3A_84 = tpu.memref_slice %arg6[%mul3A_2] : memref<1024xi32, #tpu.memory_space<hbm>> -> memref<32xi32, #tpu.memory_space<hbm>>
      tpu.wait_dma2 semaphore(%run_scoped3A_80 : memref<!tpu.dma_semaphore, #tpu.memory_space<semaphore_mem>>) src(%dma_wait3A_84 : memref<32xi32, #tpu.memory_space<hbm>>) dst(%arg9 : memref<32xi32, #tpu.memory_space<vmem>>)
      tpu.yield
    }) : () -> ()
    "tpu.region"() ({
      %run_scoped3A_80 = tpu.sem_alloc : memref<!tpu.dma_semaphore, #tpu.memory_space<semaphore_mem>>
      %dma_start3A_81 = tpu.memref_slice %arg7[%mul3A_2] : memref<1024xi32, #tpu.memory_space<hbm>> -> memref<32xi32, #tpu.memory_space<hbm>>
      %dma_start3A_82 = tpu.memref_slice %arg7[%mul3A_2] : memref<1024xi32, #tpu.memory_space<hbm>> -> memref<32xi32, #tpu.memory_space<hbm>>
      tpu.enqueue_dma source(%dma_start3A_82 : memref<32xi32, #tpu.memory_space<hbm>>) target(%arg10 : memref<32xi32, #tpu.memory_space<vmem>>) target_semaphore(%run_scoped3A_80 : memref<!tpu.dma_semaphore, #tpu.memory_space<semaphore_mem>>)
      %dma_wait3A_83 = tpu.memref_slice %arg7[%mul3A_2] : memref<1024xi32, #tpu.memory_space<hbm>> -> memref<32xi32, #tpu.memory_space<hbm>>
      %dma_wait3A_84 = tpu.memref_slice %arg7[%mul3A_2] : memref<1024xi32, #tpu.memory_space<hbm>> -> memref<32xi32, #tpu.memory_space<hbm>>
      tpu.wait_dma2 semaphore(%run_scoped3A_80 : memref<!tpu.dma_semaphore, #tpu.memory_space<semaphore_mem>>) src(%dma_wait3A_84 : memref<32xi32, #tpu.memory_space<hbm>>) dst(%arg10 : memref<32xi32, #tpu.memory_space<vmem>>)
      tpu.yield
    }) : () -> ()
    %dma_start3A = arith.constant 0 : i32
    %dma_start3A_3 = tpu.memref_slice %arg3[%dma_start3A] : memref<10000xi32, #tpu.memory_space<hbm>> -> memref<10000xi32, #tpu.memory_space<hbm>>
    tpu.enqueue_indirect_dma source(%dma_start3A_3 : memref<10000xi32, #tpu.memory_space<hbm>>) target(%arg11 : memref<32xi32, #tpu.memory_space<vmem>>) offsets(%arg9 : memref<32xi32, #tpu.memory_space<vmem>>) semaphore(%arg18 : memref<!tpu.dma_semaphore, #tpu.memory_space<semaphore_mem>>)
    %dma_wait3A = arith.constant 0 : i32
    %dma_wait3A_4 = tpu.memref_slice %arg3[%dma_wait3A] : memref<10000xi32, #tpu.memory_space<hbm>> -> memref<10000xi32, #tpu.memory_space<hbm>>
    tpu.wait_indirect_dma semaphore(%arg18 : memref<!tpu.dma_semaphore, #tpu.memory_space<semaphore_mem>>) src(%dma_wait3A_4 : memref<10000xi32, #tpu.memory_space<hbm>>) dst(%arg11 : memref<32xi32, #tpu.memory_space<vmem>>)
    %dma_start3A_5 = arith.constant 0 : i32
    %dma_start3A_6 = tpu.memref_slice %arg4[%dma_start3A_5] : memref<10000xi32, #tpu.memory_space<hbm>> -> memref<10000xi32, #tpu.memory_space<hbm>>
    tpu.enqueue_indirect_dma source(%dma_start3A_6 : memref<10000xi32, #tpu.memory_space<hbm>>) target(%arg12 : memref<32xi32, #tpu.memory_space<vmem>>) offsets(%arg9 : memref<32xi32, #tpu.memory_space<vmem>>) semaphore(%arg18 : memref<!tpu.dma_semaphore, #tpu.memory_space<semaphore_mem>>)
    %dma_wait3A_7 = arith.constant 0 : i32
    %dma_wait3A_8 = tpu.memref_slice %arg4[%dma_wait3A_7] : memref<10000xi32, #tpu.memory_space<hbm>> -> memref<10000xi32, #tpu.memory_space<hbm>>
    tpu.wait_indirect_dma semaphore(%arg18 : memref<!tpu.dma_semaphore, #tpu.memory_space<semaphore_mem>>) src(%dma_wait3A_8 : memref<10000xi32, #tpu.memory_space<hbm>>) dst(%arg12 : memref<32xi32, #tpu.memory_space<vmem>>)
    %dma_start3A_9 = arith.constant 0 : i32
    %dma_start3A_10 = tpu.memref_slice %arg5[%dma_start3A_9] : memref<10000xi32, #tpu.memory_space<hbm>> -> memref<10000xi32, #tpu.memory_space<hbm>>
    tpu.enqueue_indirect_dma source(%dma_start3A_10 : memref<10000xi32, #tpu.memory_space<hbm>>) target(%arg13 : memref<32xi32, #tpu.memory_space<vmem>>) offsets(%arg9 : memref<32xi32, #tpu.memory_space<vmem>>) semaphore(%arg18 : memref<!tpu.dma_semaphore, #tpu.memory_space<semaphore_mem>>)
    %dma_wait3A_11 = arith.constant 0 : i32
    %dma_wait3A_12 = tpu.memref_slice %arg5[%dma_wait3A_11] : memref<10000xi32, #tpu.memory_space<hbm>> -> memref<10000xi32, #tpu.memory_space<hbm>>
    tpu.wait_indirect_dma semaphore(%arg18 : memref<!tpu.dma_semaphore, #tpu.memory_space<semaphore_mem>>) src(%dma_wait3A_12 : memref<10000xi32, #tpu.memory_space<hbm>>) dst(%arg13 : memref<32xi32, #tpu.memory_space<vmem>>)
    %dma_start3A_13 = arith.constant 0 : i32
    %dma_start3A_14 = tpu.memref_slice %arg3[%dma_start3A_13] : memref<10000xi32, #tpu.memory_space<hbm>> -> memref<10000xi32, #tpu.memory_space<hbm>>
    tpu.enqueue_indirect_dma source(%dma_start3A_14 : memref<10000xi32, #tpu.memory_space<hbm>>) target(%arg14 : memref<32xi32, #tpu.memory_space<vmem>>) offsets(%arg11 : memref<32xi32, #tpu.memory_space<vmem>>) semaphore(%arg18 : memref<!tpu.dma_semaphore, #tpu.memory_space<semaphore_mem>>)
    %dma_wait3A_15 = arith.constant 0 : i32
    %dma_wait3A_16 = tpu.memref_slice %arg3[%dma_wait3A_15] : memref<10000xi32, #tpu.memory_space<hbm>> -> memref<10000xi32, #tpu.memory_space<hbm>>
    tpu.wait_indirect_dma semaphore(%arg18 : memref<!tpu.dma_semaphore, #tpu.memory_space<semaphore_mem>>) src(%dma_wait3A_16 : memref<10000xi32, #tpu.memory_space<hbm>>) dst(%arg14 : memref<32xi32, #tpu.memory_space<vmem>>)
    %dma_start3A_17 = arith.constant 0 : i32
    %dma_start3A_18 = tpu.memref_slice %arg4[%dma_start3A_17] : memref<10000xi32, #tpu.memory_space<hbm>> -> memref<10000xi32, #tpu.memory_space<hbm>>
    tpu.enqueue_indirect_dma source(%dma_start3A_18 : memref<10000xi32, #tpu.memory_space<hbm>>) target(%arg15 : memref<32xi32, #tpu.memory_space<vmem>>) offsets(%arg12 : memref<32xi32, #tpu.memory_space<vmem>>) semaphore(%arg18 : memref<!tpu.dma_semaphore, #tpu.memory_space<semaphore_mem>>)
    %dma_wait3A_19 = arith.constant 0 : i32
    %dma_wait3A_20 = tpu.memref_slice %arg4[%dma_wait3A_19] : memref<10000xi32, #tpu.memory_space<hbm>> -> memref<10000xi32, #tpu.memory_space<hbm>>
    tpu.wait_indirect_dma semaphore(%arg18 : memref<!tpu.dma_semaphore, #tpu.memory_space<semaphore_mem>>) src(%dma_wait3A_20 : memref<10000xi32, #tpu.memory_space<hbm>>) dst(%arg15 : memref<32xi32, #tpu.memory_space<vmem>>)
    %dma_start3A_21 = arith.constant 0 : i32
    %dma_start3A_22 = tpu.memref_slice %arg5[%dma_start3A_21] : memref<10000xi32, #tpu.memory_space<hbm>> -> memref<10000xi32, #tpu.memory_space<hbm>>
    tpu.enqueue_indirect_dma source(%dma_start3A_22 : memref<10000xi32, #tpu.memory_space<hbm>>) target(%arg16 : memref<32xi32, #tpu.memory_space<vmem>>) offsets(%arg13 : memref<32xi32, #tpu.memory_space<vmem>>) semaphore(%arg18 : memref<!tpu.dma_semaphore, #tpu.memory_space<semaphore_mem>>)
    %dma_wait3A_23 = arith.constant 0 : i32
    %dma_wait3A_24 = tpu.memref_slice %arg5[%dma_wait3A_23] : memref<10000xi32, #tpu.memory_space<hbm>> -> memref<10000xi32, #tpu.memory_space<hbm>>
    tpu.wait_indirect_dma semaphore(%arg18 : memref<!tpu.dma_semaphore, #tpu.memory_space<semaphore_mem>>) src(%dma_wait3A_24 : memref<10000xi32, #tpu.memory_space<hbm>>) dst(%arg16 : memref<32xi32, #tpu.memory_space<vmem>>)
    %dma_start3A_25 = arith.constant 0 : i32
    %dma_start3A_26 = arith.constant 0 : i32
    %dma_start3A_27 = tpu.memref_slice %arg2[%dma_start3A_25, %dma_start3A_26] : memref<10000x128xf32, #tpu.memory_space<hbm>> -> memref<10000x128xf32, #tpu.memory_space<hbm>>
    tpu.enqueue_indirect_dma source(%dma_start3A_27 : memref<10000x128xf32, #tpu.memory_space<hbm>>) target(%arg17 : memref<32x128xf32, #tpu.memory_space<vmem>>) offsets(%arg9 : memref<32xi32, #tpu.memory_space<vmem>>) semaphore(%arg18 : memref<!tpu.dma_semaphore, #tpu.memory_space<semaphore_mem>>)
    %dma_wait3A_28 = arith.constant 0 : i32
    %dma_wait3A_29 = arith.constant 0 : i32
    %dma_wait3A_30 = tpu.memref_slice %arg2[%dma_wait3A_28, %dma_wait3A_29] : memref<10000x128xf32, #tpu.memory_space<hbm>> -> memref<10000x128xf32, #tpu.memory_space<hbm>>
    tpu.wait_indirect_dma semaphore(%arg18 : memref<!tpu.dma_semaphore, #tpu.memory_space<semaphore_mem>>) src(%dma_wait3A_30 : memref<10000x128xf32, #tpu.memory_space<hbm>>) dst(%arg17 : memref<32x128xf32, #tpu.memory_space<vmem>>)
    %run_scoped3A = arith.constant 0 : i32
    "tpu.region"() ({
      %run_scoped3A_80 = tpu.sem_alloc : memref<!tpu.dma_semaphore, #tpu.memory_space<semaphore_mem>>
      %dma_start3A_81 = arith.constant 0 : i32
      %dma_start3A_82 = tpu.memref_slice %arg8[%run_scoped3A, %mul3A_2, %dma_start3A_81] : memref<8x1024x128xf32, #tpu.memory_space<hbm>> -> memref<1x32x128xf32, #tpu.memory_space<hbm>>
      %dma_start3A_83 = tpu.memref_squeeze %dma_start3A_82 : memref<1x32x128xf32, #tpu.memory_space<hbm>> -> memref<32x128xf32, #tpu.memory_space<hbm>>
      %dma_start3A_84 = arith.constant 0 : i32
      %dma_start3A_85 = tpu.memref_slice %arg8[%run_scoped3A, %mul3A_2, %dma_start3A_84] : memref<8x1024x128xf32, #tpu.memory_space<hbm>> -> memref<1x32x128xf32, #tpu.memory_space<hbm>>
      %dma_start3A_86 = tpu.memref_squeeze %dma_start3A_85 : memref<1x32x128xf32, #tpu.memory_space<hbm>> -> memref<32x128xf32, #tpu.memory_space<hbm>>
      tpu.enqueue_dma source(%arg17 : memref<32x128xf32, #tpu.memory_space<vmem>>) target(%dma_start3A_86 : memref<32x128xf32, #tpu.memory_space<hbm>>) target_semaphore(%run_scoped3A_80 : memref<!tpu.dma_semaphore, #tpu.memory_space<semaphore_mem>>)
      %dma_wait3A_87 = arith.constant 0 : i32
      %dma_wait3A_88 = tpu.memref_slice %arg8[%run_scoped3A, %mul3A_2, %dma_wait3A_87] : memref<8x1024x128xf32, #tpu.memory_space<hbm>> -> memref<1x32x128xf32, #tpu.memory_space<hbm>>
      %dma_wait3A_89 = tpu.memref_squeeze %dma_wait3A_88 : memref<1x32x128xf32, #tpu.memory_space<hbm>> -> memref<32x128xf32, #tpu.memory_space<hbm>>
      %dma_wait3A_90 = arith.constant 0 : i32
      %dma_wait3A_91 = tpu.memref_slice %arg8[%run_scoped3A, %mul3A_2, %dma_wait3A_90] : memref<8x1024x128xf32, #tpu.memory_space<hbm>> -> memref<1x32x128xf32, #tpu.memory_space<hbm>>
      %dma_wait3A_92 = tpu.memref_squeeze %dma_wait3A_91 : memref<1x32x128xf32, #tpu.memory_space<hbm>> -> memref<32x128xf32, #tpu.memory_space<hbm>>
      tpu.wait_dma2 semaphore(%run_scoped3A_80 : memref<!tpu.dma_semaphore, #tpu.memory_space<semaphore_mem>>) src(%arg17 : memref<32x128xf32, #tpu.memory_space<vmem>>) dst(%dma_wait3A_92 : memref<32x128xf32, #tpu.memory_space<hbm>>)
      tpu.yield
    }) : () -> ()
    %dma_start3A_31 = arith.constant 0 : i32
    %dma_start3A_32 = arith.constant 0 : i32
    %dma_start3A_33 = tpu.memref_slice %arg2[%dma_start3A_31, %dma_start3A_32] : memref<10000x128xf32, #tpu.memory_space<hbm>> -> memref<10000x128xf32, #tpu.memory_space<hbm>>
    tpu.enqueue_indirect_dma source(%dma_start3A_33 : memref<10000x128xf32, #tpu.memory_space<hbm>>) target(%arg17 : memref<32x128xf32, #tpu.memory_space<vmem>>) offsets(%arg10 : memref<32xi32, #tpu.memory_space<vmem>>) semaphore(%arg18 : memref<!tpu.dma_semaphore, #tpu.memory_space<semaphore_mem>>)
    %dma_wait3A_34 = arith.constant 0 : i32
    %dma_wait3A_35 = arith.constant 0 : i32
    %dma_wait3A_36 = tpu.memref_slice %arg2[%dma_wait3A_34, %dma_wait3A_35] : memref<10000x128xf32, #tpu.memory_space<hbm>> -> memref<10000x128xf32, #tpu.memory_space<hbm>>
    tpu.wait_indirect_dma semaphore(%arg18 : memref<!tpu.dma_semaphore, #tpu.memory_space<semaphore_mem>>) src(%dma_wait3A_36 : memref<10000x128xf32, #tpu.memory_space<hbm>>) dst(%arg17 : memref<32x128xf32, #tpu.memory_space<vmem>>)
    %run_scoped3A_37 = arith.constant 1 : i32
    "tpu.region"() ({
      %run_scoped3A_80 = tpu.sem_alloc : memref<!tpu.dma_semaphore, #tpu.memory_space<semaphore_mem>>
      %dma_start3A_81 = arith.constant 0 : i32
      %dma_start3A_82 = tpu.memref_slice %arg8[%run_scoped3A_37, %mul3A_2, %dma_start3A_81] : memref<8x1024x128xf32, #tpu.memory_space<hbm>> -> memref<1x32x128xf32, #tpu.memory_space<hbm>>
      %dma_start3A_83 = tpu.memref_squeeze %dma_start3A_82 : memref<1x32x128xf32, #tpu.memory_space<hbm>> -> memref<32x128xf32, #tpu.memory_space<hbm>>
      %dma_start3A_84 = arith.constant 0 : i32
      %dma_start3A_85 = tpu.memref_slice %arg8[%run_scoped3A_37, %mul3A_2, %dma_start3A_84] : memref<8x1024x128xf32, #tpu.memory_space<hbm>> -> memref<1x32x128xf32, #tpu.memory_space<hbm>>
      %dma_start3A_86 = tpu.memref_squeeze %dma_start3A_85 : memref<1x32x128xf32, #tpu.memory_space<hbm>> -> memref<32x128xf32, #tpu.memory_space<hbm>>
      tpu.enqueue_dma source(%arg17 : memref<32x128xf32, #tpu.memory_space<vmem>>) target(%dma_start3A_86 : memref<32x128xf32, #tpu.memory_space<hbm>>) target_semaphore(%run_scoped3A_80 : memref<!tpu.dma_semaphore, #tpu.memory_space<semaphore_mem>>)
      %dma_wait3A_87 = arith.constant 0 : i32
      %dma_wait3A_88 = tpu.memref_slice %arg8[%run_scoped3A_37, %mul3A_2, %dma_wait3A_87] : memref<8x1024x128xf32, #tpu.memory_space<hbm>> -> memref<1x32x128xf32, #tpu.memory_space<hbm>>
      %dma_wait3A_89 = tpu.memref_squeeze %dma_wait3A_88 : memref<1x32x128xf32, #tpu.memory_space<hbm>> -> memref<32x128xf32, #tpu.memory_space<hbm>>
      %dma_wait3A_90 = arith.constant 0 : i32
      %dma_wait3A_91 = tpu.memref_slice %arg8[%run_scoped3A_37, %mul3A_2, %dma_wait3A_90] : memref<8x1024x128xf32, #tpu.memory_space<hbm>> -> memref<1x32x128xf32, #tpu.memory_space<hbm>>
      %dma_wait3A_92 = tpu.memref_squeeze %dma_wait3A_91 : memref<1x32x128xf32, #tpu.memory_space<hbm>> -> memref<32x128xf32, #tpu.memory_space<hbm>>
      tpu.wait_dma2 semaphore(%run_scoped3A_80 : memref<!tpu.dma_semaphore, #tpu.memory_space<semaphore_mem>>) src(%arg17 : memref<32x128xf32, #tpu.memory_space<vmem>>) dst(%dma_wait3A_92 : memref<32x128xf32, #tpu.memory_space<hbm>>)
      tpu.yield
    }) : () -> ()
    %dma_start3A_38 = arith.constant 0 : i32
    %dma_start3A_39 = arith.constant 0 : i32
    %dma_start3A_40 = tpu.memref_slice %arg2[%dma_start3A_38, %dma_start3A_39] : memref<10000x128xf32, #tpu.memory_space<hbm>> -> memref<10000x128xf32, #tpu.memory_space<hbm>>
    tpu.enqueue_indirect_dma source(%dma_start3A_40 : memref<10000x128xf32, #tpu.memory_space<hbm>>) target(%arg17 : memref<32x128xf32, #tpu.memory_space<vmem>>) offsets(%arg11 : memref<32xi32, #tpu.memory_space<vmem>>) semaphore(%arg18 : memref<!tpu.dma_semaphore, #tpu.memory_space<semaphore_mem>>)
    %dma_wait3A_41 = arith.constant 0 : i32
    %dma_wait3A_42 = arith.constant 0 : i32
    %dma_wait3A_43 = tpu.memref_slice %arg2[%dma_wait3A_41, %dma_wait3A_42] : memref<10000x128xf32, #tpu.memory_space<hbm>> -> memref<10000x128xf32, #tpu.memory_space<hbm>>
    tpu.wait_indirect_dma semaphore(%arg18 : memref<!tpu.dma_semaphore, #tpu.memory_space<semaphore_mem>>) src(%dma_wait3A_43 : memref<10000x128xf32, #tpu.memory_space<hbm>>) dst(%arg17 : memref<32x128xf32, #tpu.memory_space<vmem>>)
    %run_scoped3A_44 = arith.constant 2 : i32
    "tpu.region"() ({
      %run_scoped3A_80 = tpu.sem_alloc : memref<!tpu.dma_semaphore, #tpu.memory_space<semaphore_mem>>
      %dma_start3A_81 = arith.constant 0 : i32
      %dma_start3A_82 = tpu.memref_slice %arg8[%run_scoped3A_44, %mul3A_2, %dma_start3A_81] : memref<8x1024x128xf32, #tpu.memory_space<hbm>> -> memref<1x32x128xf32, #tpu.memory_space<hbm>>
      %dma_start3A_83 = tpu.memref_squeeze %dma_start3A_82 : memref<1x32x128xf32, #tpu.memory_space<hbm>> -> memref<32x128xf32, #tpu.memory_space<hbm>>
      %dma_start3A_84 = arith.constant 0 : i32
      %dma_start3A_85 = tpu.memref_slice %arg8[%run_scoped3A_44, %mul3A_2, %dma_start3A_84] : memref<8x1024x128xf32, #tpu.memory_space<hbm>> -> memref<1x32x128xf32, #tpu.memory_space<hbm>>
      %dma_start3A_86 = tpu.memref_squeeze %dma_start3A_85 : memref<1x32x128xf32, #tpu.memory_space<hbm>> -> memref<32x128xf32, #tpu.memory_space<hbm>>
      tpu.enqueue_dma source(%arg17 : memref<32x128xf32, #tpu.memory_space<vmem>>) target(%dma_start3A_86 : memref<32x128xf32, #tpu.memory_space<hbm>>) target_semaphore(%run_scoped3A_80 : memref<!tpu.dma_semaphore, #tpu.memory_space<semaphore_mem>>)
      %dma_wait3A_87 = arith.constant 0 : i32
      %dma_wait3A_88 = tpu.memref_slice %arg8[%run_scoped3A_44, %mul3A_2, %dma_wait3A_87] : memref<8x1024x128xf32, #tpu.memory_space<hbm>> -> memref<1x32x128xf32, #tpu.memory_space<hbm>>
      %dma_wait3A_89 = tpu.memref_squeeze %dma_wait3A_88 : memref<1x32x128xf32, #tpu.memory_space<hbm>> -> memref<32x128xf32, #tpu.memory_space<hbm>>
      %dma_wait3A_90 = arith.constant 0 : i32
      %dma_wait3A_91 = tpu.memref_slice %arg8[%run_scoped3A_44, %mul3A_2, %dma_wait3A_90] : memref<8x1024x128xf32, #tpu.memory_space<hbm>> -> memref<1x32x128xf32, #tpu.memory_space<hbm>>
      %dma_wait3A_92 = tpu.memref_squeeze %dma_wait3A_91 : memref<1x32x128xf32, #tpu.memory_space<hbm>> -> memref<32x128xf32, #tpu.memory_space<hbm>>
      tpu.wait_dma2 semaphore(%run_scoped3A_80 : memref<!tpu.dma_semaphore, #tpu.memory_space<semaphore_mem>>) src(%arg17 : memref<32x128xf32, #tpu.memory_space<vmem>>) dst(%dma_wait3A_92 : memref<32x128xf32, #tpu.memory_space<hbm>>)
      tpu.yield
    }) : () -> ()
    %dma_start3A_45 = arith.constant 0 : i32
    %dma_start3A_46 = arith.constant 0 : i32
    %dma_start3A_47 = tpu.memref_slice %arg2[%dma_start3A_45, %dma_start3A_46] : memref<10000x128xf32, #tpu.memory_space<hbm>> -> memref<10000x128xf32, #tpu.memory_space<hbm>>
    tpu.enqueue_indirect_dma source(%dma_start3A_47 : memref<10000x128xf32, #tpu.memory_space<hbm>>) target(%arg17 : memref<32x128xf32, #tpu.memory_space<vmem>>) offsets(%arg12 : memref<32xi32, #tpu.memory_space<vmem>>) semaphore(%arg18 : memref<!tpu.dma_semaphore, #tpu.memory_space<semaphore_mem>>)
    %dma_wait3A_48 = arith.constant 0 : i32
    %dma_wait3A_49 = arith.constant 0 : i32
    %dma_wait3A_50 = tpu.memref_slice %arg2[%dma_wait3A_48, %dma_wait3A_49] : memref<10000x128xf32, #tpu.memory_space<hbm>> -> memref<10000x128xf32, #tpu.memory_space<hbm>>
    tpu.wait_indirect_dma semaphore(%arg18 : memref<!tpu.dma_semaphore, #tpu.memory_space<semaphore_mem>>) src(%dma_wait3A_50 : memref<10000x128xf32, #tpu.memory_space<hbm>>) dst(%arg17 : memref<32x128xf32, #tpu.memory_space<vmem>>)
    %run_scoped3A_51 = arith.constant 3 : i32
    "tpu.region"() ({
      %run_scoped3A_80 = tpu.sem_alloc : memref<!tpu.dma_semaphore, #tpu.memory_space<semaphore_mem>>
      %dma_start3A_81 = arith.constant 0 : i32
      %dma_start3A_82 = tpu.memref_slice %arg8[%run_scoped3A_51, %mul3A_2, %dma_start3A_81] : memref<8x1024x128xf32, #tpu.memory_space<hbm>> -> memref<1x32x128xf32, #tpu.memory_space<hbm>>
      %dma_start3A_83 = tpu.memref_squeeze %dma_start3A_82 : memref<1x32x128xf32, #tpu.memory_space<hbm>> -> memref<32x128xf32, #tpu.memory_space<hbm>>
      %dma_start3A_84 = arith.constant 0 : i32
      %dma_start3A_85 = tpu.memref_slice %arg8[%run_scoped3A_51, %mul3A_2, %dma_start3A_84] : memref<8x1024x128xf32, #tpu.memory_space<hbm>> -> memref<1x32x128xf32, #tpu.memory_space<hbm>>
      %dma_start3A_86 = tpu.memref_squeeze %dma_start3A_85 : memref<1x32x128xf32, #tpu.memory_space<hbm>> -> memref<32x128xf32, #tpu.memory_space<hbm>>
      tpu.enqueue_dma source(%arg17 : memref<32x128xf32, #tpu.memory_space<vmem>>) target(%dma_start3A_86 : memref<32x128xf32, #tpu.memory_space<hbm>>) target_semaphore(%run_scoped3A_80 : memref<!tpu.dma_semaphore, #tpu.memory_space<semaphore_mem>>)
      %dma_wait3A_87 = arith.constant 0 : i32
      %dma_wait3A_88 = tpu.memref_slice %arg8[%run_scoped3A_51, %mul3A_2, %dma_wait3A_87] : memref<8x1024x128xf32, #tpu.memory_space<hbm>> -> memref<1x32x128xf32, #tpu.memory_space<hbm>>
      %dma_wait3A_89 = tpu.memref_squeeze %dma_wait3A_88 : memref<1x32x128xf32, #tpu.memory_space<hbm>> -> memref<32x128xf32, #tpu.memory_space<hbm>>
      %dma_wait3A_90 = arith.constant 0 : i32
      %dma_wait3A_91 = tpu.memref_slice %arg8[%run_scoped3A_51, %mul3A_2, %dma_wait3A_90] : memref<8x1024x128xf32, #tpu.memory_space<hbm>> -> memref<1x32x128xf32, #tpu.memory_space<hbm>>
      %dma_wait3A_92 = tpu.memref_squeeze %dma_wait3A_91 : memref<1x32x128xf32, #tpu.memory_space<hbm>> -> memref<32x128xf32, #tpu.memory_space<hbm>>
      tpu.wait_dma2 semaphore(%run_scoped3A_80 : memref<!tpu.dma_semaphore, #tpu.memory_space<semaphore_mem>>) src(%arg17 : memref<32x128xf32, #tpu.memory_space<vmem>>) dst(%dma_wait3A_92 : memref<32x128xf32, #tpu.memory_space<hbm>>)
      tpu.yield
    }) : () -> ()
    %dma_start3A_52 = arith.constant 0 : i32
    %dma_start3A_53 = arith.constant 0 : i32
    %dma_start3A_54 = tpu.memref_slice %arg2[%dma_start3A_52, %dma_start3A_53] : memref<10000x128xf32, #tpu.memory_space<hbm>> -> memref<10000x128xf32, #tpu.memory_space<hbm>>
    tpu.enqueue_indirect_dma source(%dma_start3A_54 : memref<10000x128xf32, #tpu.memory_space<hbm>>) target(%arg17 : memref<32x128xf32, #tpu.memory_space<vmem>>) offsets(%arg13 : memref<32xi32, #tpu.memory_space<vmem>>) semaphore(%arg18 : memref<!tpu.dma_semaphore, #tpu.memory_space<semaphore_mem>>)
    %dma_wait3A_55 = arith.constant 0 : i32
    %dma_wait3A_56 = arith.constant 0 : i32
    %dma_wait3A_57 = tpu.memref_slice %arg2[%dma_wait3A_55, %dma_wait3A_56] : memref<10000x128xf32, #tpu.memory_space<hbm>> -> memref<10000x128xf32, #tpu.memory_space<hbm>>
    tpu.wait_indirect_dma semaphore(%arg18 : memref<!tpu.dma_semaphore, #tpu.memory_space<semaphore_mem>>) src(%dma_wait3A_57 : memref<10000x128xf32, #tpu.memory_space<hbm>>) dst(%arg17 : memref<32x128xf32, #tpu.memory_space<vmem>>)
    %run_scoped3A_58 = arith.constant 4 : i32
    "tpu.region"() ({
      %run_scoped3A_80 = tpu.sem_alloc : memref<!tpu.dma_semaphore, #tpu.memory_space<semaphore_mem>>
      %dma_start3A_81 = arith.constant 0 : i32
      %dma_start3A_82 = tpu.memref_slice %arg8[%run_scoped3A_58, %mul3A_2, %dma_start3A_81] : memref<8x1024x128xf32, #tpu.memory_space<hbm>> -> memref<1x32x128xf32, #tpu.memory_space<hbm>>
      %dma_start3A_83 = tpu.memref_squeeze %dma_start3A_82 : memref<1x32x128xf32, #tpu.memory_space<hbm>> -> memref<32x128xf32, #tpu.memory_space<hbm>>
      %dma_start3A_84 = arith.constant 0 : i32
      %dma_start3A_85 = tpu.memref_slice %arg8[%run_scoped3A_58, %mul3A_2, %dma_start3A_84] : memref<8x1024x128xf32, #tpu.memory_space<hbm>> -> memref<1x32x128xf32, #tpu.memory_space<hbm>>
      %dma_start3A_86 = tpu.memref_squeeze %dma_start3A_85 : memref<1x32x128xf32, #tpu.memory_space<hbm>> -> memref<32x128xf32, #tpu.memory_space<hbm>>
      tpu.enqueue_dma source(%arg17 : memref<32x128xf32, #tpu.memory_space<vmem>>) target(%dma_start3A_86 : memref<32x128xf32, #tpu.memory_space<hbm>>) target_semaphore(%run_scoped3A_80 : memref<!tpu.dma_semaphore, #tpu.memory_space<semaphore_mem>>)
      %dma_wait3A_87 = arith.constant 0 : i32
      %dma_wait3A_88 = tpu.memref_slice %arg8[%run_scoped3A_58, %mul3A_2, %dma_wait3A_87] : memref<8x1024x128xf32, #tpu.memory_space<hbm>> -> memref<1x32x128xf32, #tpu.memory_space<hbm>>
      %dma_wait3A_89 = tpu.memref_squeeze %dma_wait3A_88 : memref<1x32x128xf32, #tpu.memory_space<hbm>> -> memref<32x128xf32, #tpu.memory_space<hbm>>
      %dma_wait3A_90 = arith.constant 0 : i32
      %dma_wait3A_91 = tpu.memref_slice %arg8[%run_scoped3A_58, %mul3A_2, %dma_wait3A_90] : memref<8x1024x128xf32, #tpu.memory_space<hbm>> -> memref<1x32x128xf32, #tpu.memory_space<hbm>>
      %dma_wait3A_92 = tpu.memref_squeeze %dma_wait3A_91 : memref<1x32x128xf32, #tpu.memory_space<hbm>> -> memref<32x128xf32, #tpu.memory_space<hbm>>
      tpu.wait_dma2 semaphore(%run_scoped3A_80 : memref<!tpu.dma_semaphore, #tpu.memory_space<semaphore_mem>>) src(%arg17 : memref<32x128xf32, #tpu.memory_space<vmem>>) dst(%dma_wait3A_92 : memref<32x128xf32, #tpu.memory_space<hbm>>)
      tpu.yield
    }) : () -> ()
    %dma_start3A_59 = arith.constant 0 : i32
    %dma_start3A_60 = arith.constant 0 : i32
    %dma_start3A_61 = tpu.memref_slice %arg2[%dma_start3A_59, %dma_start3A_60] : memref<10000x128xf32, #tpu.memory_space<hbm>> -> memref<10000x128xf32, #tpu.memory_space<hbm>>
    tpu.enqueue_indirect_dma source(%dma_start3A_61 : memref<10000x128xf32, #tpu.memory_space<hbm>>) target(%arg17 : memref<32x128xf32, #tpu.memory_space<vmem>>) offsets(%arg14 : memref<32xi32, #tpu.memory_space<vmem>>) semaphore(%arg18 : memref<!tpu.dma_semaphore, #tpu.memory_space<semaphore_mem>>)
    %dma_wait3A_62 = arith.constant 0 : i32
    %dma_wait3A_63 = arith.constant 0 : i32
    %dma_wait3A_64 = tpu.memref_slice %arg2[%dma_wait3A_62, %dma_wait3A_63] : memref<10000x128xf32, #tpu.memory_space<hbm>> -> memref<10000x128xf32, #tpu.memory_space<hbm>>
    tpu.wait_indirect_dma semaphore(%arg18 : memref<!tpu.dma_semaphore, #tpu.memory_space<semaphore_mem>>) src(%dma_wait3A_64 : memref<10000x128xf32, #tpu.memory_space<hbm>>) dst(%arg17 : memref<32x128xf32, #tpu.memory_space<vmem>>)
    %run_scoped3A_65 = arith.constant 5 : i32
    "tpu.region"() ({
      %run_scoped3A_80 = tpu.sem_alloc : memref<!tpu.dma_semaphore, #tpu.memory_space<semaphore_mem>>
      %dma_start3A_81 = arith.constant 0 : i32
      %dma_start3A_82 = tpu.memref_slice %arg8[%run_scoped3A_65, %mul3A_2, %dma_start3A_81] : memref<8x1024x128xf32, #tpu.memory_space<hbm>> -> memref<1x32x128xf32, #tpu.memory_space<hbm>>
      %dma_start3A_83 = tpu.memref_squeeze %dma_start3A_82 : memref<1x32x128xf32, #tpu.memory_space<hbm>> -> memref<32x128xf32, #tpu.memory_space<hbm>>
      %dma_start3A_84 = arith.constant 0 : i32
      %dma_start3A_85 = tpu.memref_slice %arg8[%run_scoped3A_65, %mul3A_2, %dma_start3A_84] : memref<8x1024x128xf32, #tpu.memory_space<hbm>> -> memref<1x32x128xf32, #tpu.memory_space<hbm>>
      %dma_start3A_86 = tpu.memref_squeeze %dma_start3A_85 : memref<1x32x128xf32, #tpu.memory_space<hbm>> -> memref<32x128xf32, #tpu.memory_space<hbm>>
      tpu.enqueue_dma source(%arg17 : memref<32x128xf32, #tpu.memory_space<vmem>>) target(%dma_start3A_86 : memref<32x128xf32, #tpu.memory_space<hbm>>) target_semaphore(%run_scoped3A_80 : memref<!tpu.dma_semaphore, #tpu.memory_space<semaphore_mem>>)
      %dma_wait3A_87 = arith.constant 0 : i32
      %dma_wait3A_88 = tpu.memref_slice %arg8[%run_scoped3A_65, %mul3A_2, %dma_wait3A_87] : memref<8x1024x128xf32, #tpu.memory_space<hbm>> -> memref<1x32x128xf32, #tpu.memory_space<hbm>>
      %dma_wait3A_89 = tpu.memref_squeeze %dma_wait3A_88 : memref<1x32x128xf32, #tpu.memory_space<hbm>> -> memref<32x128xf32, #tpu.memory_space<hbm>>
      %dma_wait3A_90 = arith.constant 0 : i32
      %dma_wait3A_91 = tpu.memref_slice %arg8[%run_scoped3A_65, %mul3A_2, %dma_wait3A_90] : memref<8x1024x128xf32, #tpu.memory_space<hbm>> -> memref<1x32x128xf32, #tpu.memory_space<hbm>>
      %dma_wait3A_92 = tpu.memref_squeeze %dma_wait3A_91 : memref<1x32x128xf32, #tpu.memory_space<hbm>> -> memref<32x128xf32, #tpu.memory_space<hbm>>
      tpu.wait_dma2 semaphore(%run_scoped3A_80 : memref<!tpu.dma_semaphore, #tpu.memory_space<semaphore_mem>>) src(%arg17 : memref<32x128xf32, #tpu.memory_space<vmem>>) dst(%dma_wait3A_92 : memref<32x128xf32, #tpu.memory_space<hbm>>)
      tpu.yield
    }) : () -> ()
    %dma_start3A_66 = arith.constant 0 : i32
    %dma_start3A_67 = arith.constant 0 : i32
    %dma_start3A_68 = tpu.memref_slice %arg2[%dma_start3A_66, %dma_start3A_67] : memref<10000x128xf32, #tpu.memory_space<hbm>> -> memref<10000x128xf32, #tpu.memory_space<hbm>>
    tpu.enqueue_indirect_dma source(%dma_start3A_68 : memref<10000x128xf32, #tpu.memory_space<hbm>>) target(%arg17 : memref<32x128xf32, #tpu.memory_space<vmem>>) offsets(%arg15 : memref<32xi32, #tpu.memory_space<vmem>>) semaphore(%arg18 : memref<!tpu.dma_semaphore, #tpu.memory_space<semaphore_mem>>)
    %dma_wait3A_69 = arith.constant 0 : i32
    %dma_wait3A_70 = arith.constant 0 : i32
    %dma_wait3A_71 = tpu.memref_slice %arg2[%dma_wait3A_69, %dma_wait3A_70] : memref<10000x128xf32, #tpu.memory_space<hbm>> -> memref<10000x128xf32, #tpu.memory_space<hbm>>
    tpu.wait_indirect_dma semaphore(%arg18 : memref<!tpu.dma_semaphore, #tpu.memory_space<semaphore_mem>>) src(%dma_wait3A_71 : memref<10000x128xf32, #tpu.memory_space<hbm>>) dst(%arg17 : memref<32x128xf32, #tpu.memory_space<vmem>>)
    %run_scoped3A_72 = arith.constant 6 : i32
    "tpu.region"() ({
      %run_scoped3A_80 = tpu.sem_alloc : memref<!tpu.dma_semaphore, #tpu.memory_space<semaphore_mem>>
      %dma_start3A_81 = arith.constant 0 : i32
      %dma_start3A_82 = tpu.memref_slice %arg8[%run_scoped3A_72, %mul3A_2, %dma_start3A_81] : memref<8x1024x128xf32, #tpu.memory_space<hbm>> -> memref<1x32x128xf32, #tpu.memory_space<hbm>>
      %dma_start3A_83 = tpu.memref_squeeze %dma_start3A_82 : memref<1x32x128xf32, #tpu.memory_space<hbm>> -> memref<32x128xf32, #tpu.memory_space<hbm>>
      %dma_start3A_84 = arith.constant 0 : i32
      %dma_start3A_85 = tpu.memref_slice %arg8[%run_scoped3A_72, %mul3A_2, %dma_start3A_84] : memref<8x1024x128xf32, #tpu.memory_space<hbm>> -> memref<1x32x128xf32, #tpu.memory_space<hbm>>
      %dma_start3A_86 = tpu.memref_squeeze %dma_start3A_85 : memref<1x32x128xf32, #tpu.memory_space<hbm>> -> memref<32x128xf32, #tpu.memory_space<hbm>>
      tpu.enqueue_dma source(%arg17 : memref<32x128xf32, #tpu.memory_space<vmem>>) target(%dma_start3A_86 : memref<32x128xf32, #tpu.memory_space<hbm>>) target_semaphore(%run_scoped3A_80 : memref<!tpu.dma_semaphore, #tpu.memory_space<semaphore_mem>>)
      %dma_wait3A_87 = arith.constant 0 : i32
      %dma_wait3A_88 = tpu.memref_slice %arg8[%run_scoped3A_72, %mul3A_2, %dma_wait3A_87] : memref<8x1024x128xf32, #tpu.memory_space<hbm>> -> memref<1x32x128xf32, #tpu.memory_space<hbm>>
      %dma_wait3A_89 = tpu.memref_squeeze %dma_wait3A_88 : memref<1x32x128xf32, #tpu.memory_space<hbm>> -> memref<32x128xf32, #tpu.memory_space<hbm>>
      %dma_wait3A_90 = arith.constant 0 : i32
      %dma_wait3A_91 = tpu.memref_slice %arg8[%run_scoped3A_72, %mul3A_2, %dma_wait3A_90] : memref<8x1024x128xf32, #tpu.memory_space<hbm>> -> memref<1x32x128xf32, #tpu.memory_space<hbm>>
      %dma_wait3A_92 = tpu.memref_squeeze %dma_wait3A_91 : memref<1x32x128xf32, #tpu.memory_space<hbm>> -> memref<32x128xf32, #tpu.memory_space<hbm>>
      tpu.wait_dma2 semaphore(%run_scoped3A_80 : memref<!tpu.dma_semaphore, #tpu.memory_space<semaphore_mem>>) src(%arg17 : memref<32x128xf32, #tpu.memory_space<vmem>>) dst(%dma_wait3A_92 : memref<32x128xf32, #tpu.memory_space<hbm>>)
      tpu.yield
    }) : () -> ()
    %dma_start3A_73 = arith.constant 0 : i32
    %dma_start3A_74 = arith.constant 0 : i32
    %dma_start3A_75 = tpu.memref_slice %arg2[%dma_start3A_73, %dma_start3A_74] : memref<10000x128xf32, #tpu.memory_space<hbm>> -> memref<10000x128xf32, #tpu.memory_space<hbm>>
    tpu.enqueue_indirect_dma source(%dma_start3A_75 : memref<10000x128xf32, #tpu.memory_space<hbm>>) target(%arg17 : memref<32x128xf32, #tpu.memory_space<vmem>>) offsets(%arg16 : memref<32xi32, #tpu.memory_space<vmem>>) semaphore(%arg18 : memref<!tpu.dma_semaphore, #tpu.memory_space<semaphore_mem>>)
    %dma_wait3A_76 = arith.constant 0 : i32
    %dma_wait3A_77 = arith.constant 0 : i32
    %dma_wait3A_78 = tpu.memref_slice %arg2[%dma_wait3A_76, %dma_wait3A_77] : memref<10000x128xf32, #tpu.memory_space<hbm>> -> memref<10000x128xf32, #tpu.memory_space<hbm>>
    tpu.wait_indirect_dma semaphore(%arg18 : memref<!tpu.dma_semaphore, #tpu.memory_space<semaphore_mem>>) src(%dma_wait3A_78 : memref<10000x128xf32, #tpu.memory_space<hbm>>) dst(%arg17 : memref<32x128xf32, #tpu.memory_space<vmem>>)
    %run_scoped3A_79 = arith.constant 7 : i32
    "tpu.region"() ({
      %run_scoped3A_80 = tpu.sem_alloc : memref<!tpu.dma_semaphore, #tpu.memory_space<semaphore_mem>>
      %dma_start3A_81 = arith.constant 0 : i32
      %dma_start3A_82 = tpu.memref_slice %arg8[%run_scoped3A_79, %mul3A_2, %dma_start3A_81] : memref<8x1024x128xf32, #tpu.memory_space<hbm>> -> memref<1x32x128xf32, #tpu.memory_space<hbm>>
      %dma_start3A_83 = tpu.memref_squeeze %dma_start3A_82 : memref<1x32x128xf32, #tpu.memory_space<hbm>> -> memref<32x128xf32, #tpu.memory_space<hbm>>
      %dma_start3A_84 = arith.constant 0 : i32
      %dma_start3A_85 = tpu.memref_slice %arg8[%run_scoped3A_79, %mul3A_2, %dma_start3A_84] : memref<8x1024x128xf32, #tpu.memory_space<hbm>> -> memref<1x32x128xf32, #tpu.memory_space<hbm>>
      %dma_start3A_86 = tpu.memref_squeeze %dma_start3A_85 : memref<1x32x128xf32, #tpu.memory_space<hbm>> -> memref<32x128xf32, #tpu.memory_space<hbm>>
      tpu.enqueue_dma source(%arg17 : memref<32x128xf32, #tpu.memory_space<vmem>>) target(%dma_start3A_86 : memref<32x128xf32, #tpu.memory_space<hbm>>) target_semaphore(%run_scoped3A_80 : memref<!tpu.dma_semaphore, #tpu.memory_space<semaphore_mem>>)
      %dma_wait3A_87 = arith.constant 0 : i32
      %dma_wait3A_88 = tpu.memref_slice %arg8[%run_scoped3A_79, %mul3A_2, %dma_wait3A_87] : memref<8x1024x128xf32, #tpu.memory_space<hbm>> -> memref<1x32x128xf32, #tpu.memory_space<hbm>>
      %dma_wait3A_89 = tpu.memref_squeeze %dma_wait3A_88 : memref<1x32x128xf32, #tpu.memory_space<hbm>> -> memref<32x128xf32, #tpu.memory_space<hbm>>
      %dma_wait3A_90 = arith.constant 0 : i32
      %dma_wait3A_91 = tpu.memref_slice %arg8[%run_scoped3A_79, %mul3A_2, %dma_wait3A_90] : memref<8x1024x128xf32, #tpu.memory_space<hbm>> -> memref<1x32x128xf32, #tpu.memory_space<hbm>>
      %dma_wait3A_92 = tpu.memref_squeeze %dma_wait3A_91 : memref<1x32x128xf32, #tpu.memory_space<hbm>> -> memref<32x128xf32, #tpu.memory_space<hbm>>
      tpu.wait_dma2 semaphore(%run_scoped3A_80 : memref<!tpu.dma_semaphore, #tpu.memory_space<semaphore_mem>>) src(%arg17 : memref<32x128xf32, #tpu.memory_space<vmem>>) dst(%dma_wait3A_92 : memref<32x128xf32, #tpu.memory_space<hbm>>)
      tpu.yield
    }) : () -> ()
    return
  }
}

module attributes {stable_mosaic.version = 14 : i64} {
  func.func @_xw_body(%arg0: i32, %arg1: memref<512x128xf32, #tpu.memory_space<vmem>>, %arg2: memref<128x256xf32, #tpu.memory_space<vmem>>, %arg3: memref<512x256xf32, #tpu.memory_space<vmem>>) attributes {dimension_semantics = [#tpu.dimension_semantics<arbitrary>], iteration_bounds = array<i64: 20>, scalar_prefetch = 0 : i64, scratch_operands = 0 : i64, tpu.core_type = #tpu.core_type<tc>, window_params = [{transform_indices = @transform_0, window_bounds = array<i64: 512, 128>}, {pipeline_mode = #tpu.pipeline_mode<synchronous>, transform_indices = @transform_1, window_bounds = array<i64: 128, 256>}, {transform_indices = @transform_2, window_bounds = array<i64: 512, 256>}]} {
    %get3A = arith.constant 0 : index
    %get3A_0 = arith.constant 0 : index
    %get3A_1 = vector.load %arg1[%get3A, %get3A_0] : memref<512x128xf32, #tpu.memory_space<vmem>>, vector<512x128xf32>
    %get3A_2 = arith.constant 0 : index
    %get3A_3 = arith.constant 0 : index
    %get3A_4 = vector.load %arg2[%get3A_2, %get3A_3] : memref<128x256xf32, #tpu.memory_space<vmem>>, vector<128x256xf32>
    %dot_general3A = arith.constant dense<0.000000e+00> : vector<512x256xf32>
    %dot_general3A_5 = tpu.matmul %get3A_1, %get3A_4, %dot_general3A {dimension_numbers = #tpu.dot_dimension_numbers<[1], [0], [0], [1], [0, 0, 1, 1], [], []>, transpose_lhs_hint = false} : vector<512x128xf32>, vector<128x256xf32>, vector<512x256xf32> -> vector<512x256xf32>
    %swap3A = arith.constant 0 : index
    %swap3A_6 = arith.constant 0 : index
    %swap3A_7 = vector.load %arg3[%swap3A, %swap3A_6] : memref<512x256xf32, #tpu.memory_space<vmem>>, vector<512x256xf32>
    tpu.vector_store %arg3[%swap3A, %swap3A_6], %dot_general3A_5 {strides = array<i32>} : memref<512x256xf32, #tpu.memory_space<vmem>>, vector<512x256xf32>,
    return
  }
  func.func @transform_0(%arg0: i32) -> (i32, i32) {
    %c0_i32 = arith.constant 0 : i32
    %c0_i32_0 = arith.constant 0 : i32
    return %arg0, %c0_i32 : i32, i32
  }
  func.func @transform_1(%arg0: i32) -> (i32, i32) {
    %c0_i32 = arith.constant 0 : i32
    %c0_i32_0 = arith.constant 0 : i32
    %c0_i32_1 = arith.constant 0 : i32
    return %c0_i32, %c0_i32_0 : i32, i32
  }
  func.func @transform_2(%arg0: i32) -> (i32, i32) {
    %c0_i32 = arith.constant 0 : i32
    %c0_i32_0 = arith.constant 0 : i32
    return %arg0, %c0_i32 : i32, i32
  }
}

module attributes {stable_mosaic.version = 14 : i64} {
  func.func @_mm1_body(%arg0: i32, %arg1: memref<200x10240xf32, #tpu.memory_space<vmem>>, %arg2: memref<10240x256xf32, #tpu.memory_space<vmem>>, %arg3: memref<1x256xf32, #tpu.memory_space<vmem>>, %arg4: memref<200x256xf32, #tpu.memory_space<vmem>>, %arg5: memref<200x8xi32, #tpu.memory_space<vmem>>) attributes {dimension_semantics = [#tpu.dimension_semantics<arbitrary>], iteration_bounds = array<i64: 50>, scalar_prefetch = 0 : i64, scratch_operands = 0 : i64, tpu.core_type = #tpu.core_type<tc>, window_params = [{transform_indices = @transform_0, window_bounds = array<i64: 200, 10240>}, {pipeline_mode = #tpu.pipeline_mode<synchronous>, transform_indices = @transform_1, window_bounds = array<i64: 10240, 256>}, {pipeline_mode = #tpu.pipeline_mode<synchronous>, transform_indices = @transform_2, window_bounds = array<i64: 1, 256>}, {transform_indices = @transform_3, window_bounds = array<i64: 200, 256>}, {transform_indices = @transform_4, window_bounds = array<i64: 200, 8>}]} {
    %get3A = arith.constant 0 : index
    %get3A_0 = arith.constant 0 : index
    %get3A_1 = vector.load %arg1[%get3A, %get3A_0] : memref<200x10240xf32, #tpu.memory_space<vmem>>, vector<200x10240xf32>
    %get3A_2 = arith.constant 0 : index
    %get3A_3 = arith.constant 0 : index
    %get3A_4 = vector.load %arg2[%get3A_2, %get3A_3] : memref<10240x256xf32, #tpu.memory_space<vmem>>, vector<10240x256xf32>
    %dot_general3A = arith.constant dense<0.000000e+00> : vector<200x256xf32>
    %dot_general3A_5 = tpu.matmul %get3A_1, %get3A_4, %dot_general3A {dimension_numbers = #tpu.dot_dimension_numbers<[1], [0], [0], [1], [0, 0, 1, 1], [], []>, transpose_lhs_hint = false} : vector<200x10240xf32>, vector<10240x256xf32>, vector<200x256xf32> -> vector<200x256xf32>
    %get3A_6 = arith.constant 0 : index
    %get3A_7 = arith.constant 0 : index
    %get3A_8 = vector.load %arg3[%get3A_6, %get3A_7] : memref<1x256xf32, #tpu.memory_space<vmem>>, vector<1x256xf32>
    %add3A = vector.broadcast %get3A_8 : vector<1x256xf32> to vector<200x256xf32>
    %add3A_9 = arith.addf %dot_general3A_5, %add3A : vector<200x256xf32>
    %max3A = arith.constant 0.000000e+00 : f32
    %max3A_10 = vector.broadcast %max3A : f32 to vector<200x256xf32>
    %max3A_11 = arith.maximumf %add3A_9, %max3A_10 : vector<200x256xf32>
    %swap3A = arith.constant 0 : index
    %swap3A_12 = arith.constant 0 : index
    %swap3A_13 = vector.load %arg4[%swap3A, %swap3A_12] : memref<200x256xf32, #tpu.memory_space<vmem>>, vector<200x256xf32>
    tpu.vector_store %arg4[%swap3A, %swap3A_12], %max3A_11 {strides = array<i32>} : memref<200x256xf32, #tpu.memory_space<vmem>>, vector<200x256xf32>,
    %iota3A = tpu.iota {dimensions = array<i32: 1>} : vector<200x2048xi32>
    %add3A_14 = arith.constant 0 : i32
    %add3A_15 = vector.broadcast %add3A_14 : i32 to vector<200x2048xi32>
    %add3A_16 = arith.addi %iota3A, %add3A_15 : vector<200x2048xi32>
    %slice3A = vector.extract_strided_slice %get3A_1 {offsets = [0, 0], sizes = [200, 2048], strides = [1, 1]} : vector<200x10240xf32> to vector<200x2048xf32>
    %reduce_max3A = arith.constant dense<0xFF800000> : vector<200xf32>
    %reduce_max3A_17 = vector.multi_reduction <maximumf>, %slice3A, %reduce_max3A [1] : vector<200x2048xf32> to vector<200xf32>
    %broadcast_in_dim3A = vector.shape_cast %reduce_max3A_17 : vector<200xf32> to vector<200x1xf32>
    %eq3A = vector.broadcast %broadcast_in_dim3A : vector<200x1xf32> to vector<200x2048xf32>
    %eq3A_18 = arith.cmpf oeq, %slice3A, %eq3A : vector<200x2048xf32>
    %jit3A = arith.constant 1073741824 : i32
    %broadcast_in_dim3A_19 = vector.broadcast %jit3A : i32 to vector<200x2048xi32>
    %select_n3A = arith.select %eq3A_18, %add3A_16, %broadcast_in_dim3A_19 : vector<200x2048xi1>, vector<200x2048xi32>
    %reduce_min3A = arith.constant dense<2147483647> : vector<200xi32>
    %reduce_min3A_20 = vector.multi_reduction <minsi>, %select_n3A, %reduce_min3A [1] : vector<200x2048xi32> to vector<200xi32>
    %broadcast_in_dim3A_21 = vector.shape_cast %reduce_min3A_20 : vector<200xi32> to vector<200x1xi32>
    %eq3A_22 = vector.broadcast %broadcast_in_dim3A_21 : vector<200x1xi32> to vector<200x2048xi32>
    %eq3A_23 = arith.cmpi eq, %add3A_16, %eq3A_22 : vector<200x2048xi32>
    %jit3A_24 = arith.constant -1.000000e+00 : f32
    %broadcast_in_dim3A_25 = vector.broadcast %jit3A_24 : f32 to vector<200x2048xf32>
    %select_n3A_26 = arith.select %eq3A_23, %broadcast_in_dim3A_25, %slice3A : vector<200x2048xi1>, vector<200x2048xf32>
    %reduce_max3A_27 = arith.constant dense<0xFF800000> : vector<200xf32>
    %reduce_max3A_28 = vector.multi_reduction <maximumf>, %select_n3A_26, %reduce_max3A_27 [1] : vector<200x2048xf32> to vector<200xf32>
    %broadcast_in_dim3A_29 = vector.shape_cast %reduce_max3A_28 : vector<200xf32> to vector<200x1xf32>
    %eq3A_30 = vector.broadcast %broadcast_in_dim3A_29 : vector<200x1xf32> to vector<200x2048xf32>
    %eq3A_31 = arith.cmpf oeq, %select_n3A_26, %eq3A_30 : vector<200x2048xf32>
    %jit3A_32 = arith.constant 1073741824 : i32
    %broadcast_in_dim3A_33 = vector.broadcast %jit3A_32 : i32 to vector<200x2048xi32>
    %select_n3A_34 = arith.select %eq3A_31, %add3A_16, %broadcast_in_dim3A_33 : vector<200x2048xi1>, vector<200x2048xi32>
    %reduce_min3A_35 = arith.constant dense<2147483647> : vector<200xi32>
    %reduce_min3A_36 = vector.multi_reduction <minsi>, %select_n3A_34, %reduce_min3A_35 [1] : vector<200x2048xi32> to vector<200xi32>
    %broadcast_in_dim3A_37 = vector.shape_cast %reduce_min3A_36 : vector<200xi32> to vector<200x1xi32>
    %eq3A_38 = vector.broadcast %broadcast_in_dim3A_37 : vector<200x1xi32> to vector<200x2048xi32>
    %eq3A_39 = arith.cmpi eq, %add3A_16, %eq3A_38 : vector<200x2048xi32>
    %jit3A_40 = arith.constant -1.000000e+00 : f32
    %broadcast_in_dim3A_41 = vector.broadcast %jit3A_40 : f32 to vector<200x2048xf32>
    %select_n3A_42 = arith.select %eq3A_39, %broadcast_in_dim3A_41, %select_n3A_26 : vector<200x2048xi1>, vector<200x2048xf32>
    %reduce_max3A_43 = arith.constant dense<0xFF800000> : vector<200xf32>
    %reduce_max3A_44 = vector.multi_reduction <maximumf>, %select_n3A_42, %reduce_max3A_43 [1] : vector<200x2048xf32> to vector<200xf32>
    %broadcast_in_dim3A_45 = vector.shape_cast %reduce_max3A_44 : vector<200xf32> to vector<200x1xf32>
    %eq3A_46 = vector.broadcast %broadcast_in_dim3A_45 : vector<200x1xf32> to vector<200x2048xf32>
    %eq3A_47 = arith.cmpf oeq, %select_n3A_42, %eq3A_46 : vector<200x2048xf32>
    %jit3A_48 = arith.constant 1073741824 : i32
    %broadcast_in_dim3A_49 = vector.broadcast %jit3A_48 : i32 to vector<200x2048xi32>
    %select_n3A_50 = arith.select %eq3A_47, %add3A_16, %broadcast_in_dim3A_49 : vector<200x2048xi1>, vector<200x2048xi32>
    %reduce_min3A_51 = arith.constant dense<2147483647> : vector<200xi32>
    %reduce_min3A_52 = vector.multi_reduction <minsi>, %select_n3A_50, %reduce_min3A_51 [1] : vector<200x2048xi32> to vector<200xi32>
    %broadcast_in_dim3A_53 = vector.shape_cast %reduce_min3A_52 : vector<200xi32> to vector<200x1xi32>
    %iota3A_54 = tpu.iota {dimensions = array<i32: 1>} : vector<200x2048xi32>
    %add3A_55 = arith.constant 2048 : i32
    %add3A_56 = vector.broadcast %add3A_55 : i32 to vector<200x2048xi32>
    %add3A_57 = arith.addi %iota3A_54, %add3A_56 : vector<200x2048xi32>
    %slice3A_58 = vector.extract_strided_slice %get3A_1 {offsets = [0, 2048], sizes = [200, 2048], strides = [1, 1]} : vector<200x10240xf32> to vector<200x2048xf32>
    %reduce_max3A_59 = arith.constant dense<0xFF800000> : vector<200xf32>
    %reduce_max3A_60 = vector.multi_reduction <maximumf>, %slice3A_58, %reduce_max3A_59 [1] : vector<200x2048xf32> to vector<200xf32>
    %broadcast_in_dim3A_61 = vector.shape_cast %reduce_max3A_60 : vector<200xf32> to vector<200x1xf32>
    %eq3A_62 = vector.broadcast %broadcast_in_dim3A_61 : vector<200x1xf32> to vector<200x2048xf32>
    %eq3A_63 = arith.cmpf oeq, %slice3A_58, %eq3A_62 : vector<200x2048xf32>
    %jit3A_64 = arith.constant 1073741824 : i32
    %broadcast_in_dim3A_65 = vector.broadcast %jit3A_64 : i32 to vector<200x2048xi32>
    %select_n3A_66 = arith.select %eq3A_63, %add3A_57, %broadcast_in_dim3A_65 : vector<200x2048xi1>, vector<200x2048xi32>
    %reduce_min3A_67 = arith.constant dense<2147483647> : vector<200xi32>
    %reduce_min3A_68 = vector.multi_reduction <minsi>, %select_n3A_66, %reduce_min3A_67 [1] : vector<200x2048xi32> to vector<200xi32>
    %broadcast_in_dim3A_69 = vector.shape_cast %reduce_min3A_68 : vector<200xi32> to vector<200x1xi32>
    %eq3A_70 = vector.broadcast %broadcast_in_dim3A_69 : vector<200x1xi32> to vector<200x2048xi32>
    %eq3A_71 = arith.cmpi eq, %add3A_57, %eq3A_70 : vector<200x2048xi32>
    %jit3A_72 = arith.constant -1.000000e+00 : f32
    %broadcast_in_dim3A_73 = vector.broadcast %jit3A_72 : f32 to vector<200x2048xf32>
    %select_n3A_74 = arith.select %eq3A_71, %broadcast_in_dim3A_73, %slice3A_58 : vector<200x2048xi1>, vector<200x2048xf32>
    %reduce_max3A_75 = arith.constant dense<0xFF800000> : vector<200xf32>
    %reduce_max3A_76 = vector.multi_reduction <maximumf>, %select_n3A_74, %reduce_max3A_75 [1] : vector<200x2048xf32> to vector<200xf32>
    %broadcast_in_dim3A_77 = vector.shape_cast %reduce_max3A_76 : vector<200xf32> to vector<200x1xf32>
    %eq3A_78 = vector.broadcast %broadcast_in_dim3A_77 : vector<200x1xf32> to vector<200x2048xf32>
    %eq3A_79 = arith.cmpf oeq, %select_n3A_74, %eq3A_78 : vector<200x2048xf32>
    %jit3A_80 = arith.constant 1073741824 : i32
    %broadcast_in_dim3A_81 = vector.broadcast %jit3A_80 : i32 to vector<200x2048xi32>
    %select_n3A_82 = arith.select %eq3A_79, %add3A_57, %broadcast_in_dim3A_81 : vector<200x2048xi1>, vector<200x2048xi32>
    %reduce_min3A_83 = arith.constant dense<2147483647> : vector<200xi32>
    %reduce_min3A_84 = vector.multi_reduction <minsi>, %select_n3A_82, %reduce_min3A_83 [1] : vector<200x2048xi32> to vector<200xi32>
    %broadcast_in_dim3A_85 = vector.shape_cast %reduce_min3A_84 : vector<200xi32> to vector<200x1xi32>
    %eq3A_86 = vector.broadcast %broadcast_in_dim3A_85 : vector<200x1xi32> to vector<200x2048xi32>
    %eq3A_87 = arith.cmpi eq, %add3A_57, %eq3A_86 : vector<200x2048xi32>
    %jit3A_88 = arith.constant -1.000000e+00 : f32
    %broadcast_in_dim3A_89 = vector.broadcast %jit3A_88 : f32 to vector<200x2048xf32>
    %select_n3A_90 = arith.select %eq3A_87, %broadcast_in_dim3A_89, %select_n3A_74 : vector<200x2048xi1>, vector<200x2048xf32>
    %reduce_max3A_91 = arith.constant dense<0xFF800000> : vector<200xf32>
    %reduce_max3A_92 = vector.multi_reduction <maximumf>, %select_n3A_90, %reduce_max3A_91 [1] : vector<200x2048xf32> to vector<200xf32>
    %broadcast_in_dim3A_93 = vector.shape_cast %reduce_max3A_92 : vector<200xf32> to vector<200x1xf32>
    %eq3A_94 = vector.broadcast %broadcast_in_dim3A_93 : vector<200x1xf32> to vector<200x2048xf32>
    %eq3A_95 = arith.cmpf oeq, %select_n3A_90, %eq3A_94 : vector<200x2048xf32>
    %jit3A_96 = arith.constant 1073741824 : i32
    %broadcast_in_dim3A_97 = vector.broadcast %jit3A_96 : i32 to vector<200x2048xi32>
    %select_n3A_98 = arith.select %eq3A_95, %add3A_57, %broadcast_in_dim3A_97 : vector<200x2048xi1>, vector<200x2048xi32>
    %reduce_min3A_99 = arith.constant dense<2147483647> : vector<200xi32>
    %reduce_min3A_100 = vector.multi_reduction <minsi>, %select_n3A_98, %reduce_min3A_99 [1] : vector<200x2048xi32> to vector<200xi32>
    %broadcast_in_dim3A_101 = vector.shape_cast %reduce_min3A_100 : vector<200xi32> to vector<200x1xi32>
    %concatenate3A = tpu.concatenate %broadcast_in_dim3A, %broadcast_in_dim3A_29, %broadcast_in_dim3A_45, %broadcast_in_dim3A_61, %broadcast_in_dim3A_77, %broadcast_in_dim3A_93 in 1 : vector<200x1xf32>, vector<200x1xf32>, vector<200x1xf32>, vector<200x1xf32>, vector<200x1xf32>, vector<200x1xf32> -> vector<200x6xf32>
    %concatenate3A_102 = tpu.concatenate %broadcast_in_dim3A_21, %broadcast_in_dim3A_37, %broadcast_in_dim3A_53, %broadcast_in_dim3A_69, %broadcast_in_dim3A_85, %broadcast_in_dim3A_101 in 1 : vector<200x1xi32>, vector<200x1xi32>, vector<200x1xi32>, vector<200x1xi32>, vector<200x1xi32>, vector<200x1xi32> -> vector<200x6xi32>
    %reduce_max3A_103 = arith.constant dense<0xFF800000> : vector<200xf32>
    %reduce_max3A_104 = vector.multi_reduction <maximumf>, %concatenate3A, %reduce_max3A_103 [1] : vector<200x6xf32> to vector<200xf32>
    %broadcast_in_dim3A_105 = vector.shape_cast %reduce_max3A_104 : vector<200xf32> to vector<200x1xf32>
    %eq3A_106 = vector.broadcast %broadcast_in_dim3A_105 : vector<200x1xf32> to vector<200x6xf32>
    %eq3A_107 = arith.cmpf oeq, %concatenate3A, %eq3A_106 : vector<200x6xf32>
    %jit3A_108 = arith.constant 1073741824 : i32
    %broadcast_in_dim3A_109 = vector.broadcast %jit3A_108 : i32 to vector<200x6xi32>
    %select_n3A_110 = arith.select %eq3A_107, %concatenate3A_102, %broadcast_in_dim3A_109 : vector<200x6xi1>, vector<200x6xi32>
    %reduce_min3A_111 = arith.constant dense<2147483647> : vector<200xi32>
    %reduce_min3A_112 = vector.multi_reduction <minsi>, %select_n3A_110, %reduce_min3A_111 [1] : vector<200x6xi32> to vector<200xi32>
    %broadcast_in_dim3A_113 = vector.shape_cast %reduce_min3A_112 : vector<200xi32> to vector<200x1xi32>
    %eq3A_114 = vector.broadcast %broadcast_in_dim3A_113 : vector<200x1xi32> to vector<200x6xi32>
    %eq3A_115 = arith.cmpi eq, %concatenate3A_102, %eq3A_114 : vector<200x6xi32>
    %jit3A_116 = arith.constant -1.000000e+00 : f32
    %broadcast_in_dim3A_117 = vector.broadcast %jit3A_116 : f32 to vector<200x6xf32>
    %select_n3A_118 = arith.select %eq3A_115, %broadcast_in_dim3A_117, %concatenate3A : vector<200x6xi1>, vector<200x6xf32>
    %reduce_max3A_119 = arith.constant dense<0xFF800000> : vector<200xf32>
    %reduce_max3A_120 = vector.multi_reduction <maximumf>, %select_n3A_118, %reduce_max3A_119 [1] : vector<200x6xf32> to vector<200xf32>
    %broadcast_in_dim3A_121 = vector.shape_cast %reduce_max3A_120 : vector<200xf32> to vector<200x1xf32>
    %eq3A_122 = vector.broadcast %broadcast_in_dim3A_121 : vector<200x1xf32> to vector<200x6xf32>
    %eq3A_123 = arith.cmpf oeq, %select_n3A_118, %eq3A_122 : vector<200x6xf32>
    %jit3A_124 = arith.constant 1073741824 : i32
    %broadcast_in_dim3A_125 = vector.broadcast %jit3A_124 : i32 to vector<200x6xi32>
    %select_n3A_126 = arith.select %eq3A_123, %concatenate3A_102, %broadcast_in_dim3A_125 : vector<200x6xi1>, vector<200x6xi32>
    %reduce_min3A_127 = arith.constant dense<2147483647> : vector<200xi32>
    %reduce_min3A_128 = vector.multi_reduction <minsi>, %select_n3A_126, %reduce_min3A_127 [1] : vector<200x6xi32> to vector<200xi32>
    %broadcast_in_dim3A_129 = vector.shape_cast %reduce_min3A_128 : vector<200xi32> to vector<200x1xi32>
    %eq3A_130 = vector.broadcast %broadcast_in_dim3A_129 : vector<200x1xi32> to vector<200x6xi32>
    %eq3A_131 = arith.cmpi eq, %concatenate3A_102, %eq3A_130 : vector<200x6xi32>
    %jit3A_132 = arith.constant -1.000000e+00 : f32
    %broadcast_in_dim3A_133 = vector.broadcast %jit3A_132 : f32 to vector<200x6xf32>
    %select_n3A_134 = arith.select %eq3A_131, %broadcast_in_dim3A_133, %select_n3A_118 : vector<200x6xi1>, vector<200x6xf32>
    %reduce_max3A_135 = arith.constant dense<0xFF800000> : vector<200xf32>
    %reduce_max3A_136 = vector.multi_reduction <maximumf>, %select_n3A_134, %reduce_max3A_135 [1] : vector<200x6xf32> to vector<200xf32>
    %broadcast_in_dim3A_137 = vector.shape_cast %reduce_max3A_136 : vector<200xf32> to vector<200x1xf32>
    %eq3A_138 = vector.broadcast %broadcast_in_dim3A_137 : vector<200x1xf32> to vector<200x6xf32>
    %eq3A_139 = arith.cmpf oeq, %select_n3A_134, %eq3A_138 : vector<200x6xf32>
    %jit3A_140 = arith.constant 1073741824 : i32
    %broadcast_in_dim3A_141 = vector.broadcast %jit3A_140 : i32 to vector<200x6xi32>
    %select_n3A_142 = arith.select %eq3A_139, %concatenate3A_102, %broadcast_in_dim3A_141 : vector<200x6xi1>, vector<200x6xi32>
    %reduce_min3A_143 = arith.constant dense<2147483647> : vector<200xi32>
    %reduce_min3A_144 = vector.multi_reduction <minsi>, %select_n3A_142, %reduce_min3A_143 [1] : vector<200x6xi32> to vector<200xi32>
    %broadcast_in_dim3A_145 = vector.shape_cast %reduce_min3A_144 : vector<200xi32> to vector<200x1xi32>
    %iota3A_146 = tpu.iota {dimensions = array<i32: 1>} : vector<200x2048xi32>
    %add3A_147 = arith.constant 4096 : i32
    %add3A_148 = vector.broadcast %add3A_147 : i32 to vector<200x2048xi32>
    %add3A_149 = arith.addi %iota3A_146, %add3A_148 : vector<200x2048xi32>
    %slice3A_150 = vector.extract_strided_slice %get3A_1 {offsets = [0, 4096], sizes = [200, 2048], strides = [1, 1]} : vector<200x10240xf32> to vector<200x2048xf32>
    %reduce_max3A_151 = arith.constant dense<0xFF800000> : vector<200xf32>
    %reduce_max3A_152 = vector.multi_reduction <maximumf>, %slice3A_150, %reduce_max3A_151 [1] : vector<200x2048xf32> to vector<200xf32>
    %broadcast_in_dim3A_153 = vector.shape_cast %reduce_max3A_152 : vector<200xf32> to vector<200x1xf32>
    %eq3A_154 = vector.broadcast %broadcast_in_dim3A_153 : vector<200x1xf32> to vector<200x2048xf32>
    %eq3A_155 = arith.cmpf oeq, %slice3A_150, %eq3A_154 : vector<200x2048xf32>
    %jit3A_156 = arith.constant 1073741824 : i32
    %broadcast_in_dim3A_157 = vector.broadcast %jit3A_156 : i32 to vector<200x2048xi32>
    %select_n3A_158 = arith.select %eq3A_155, %add3A_149, %broadcast_in_dim3A_157 : vector<200x2048xi1>, vector<200x2048xi32>
    %reduce_min3A_159 = arith.constant dense<2147483647> : vector<200xi32>
    %reduce_min3A_160 = vector.multi_reduction <minsi>, %select_n3A_158, %reduce_min3A_159 [1] : vector<200x2048xi32> to vector<200xi32>
    %broadcast_in_dim3A_161 = vector.shape_cast %reduce_min3A_160 : vector<200xi32> to vector<200x1xi32>
    %eq3A_162 = vector.broadcast %broadcast_in_dim3A_161 : vector<200x1xi32> to vector<200x2048xi32>
    %eq3A_163 = arith.cmpi eq, %add3A_149, %eq3A_162 : vector<200x2048xi32>
    %jit3A_164 = arith.constant -1.000000e+00 : f32
    %broadcast_in_dim3A_165 = vector.broadcast %jit3A_164 : f32 to vector<200x2048xf32>
    %select_n3A_166 = arith.select %eq3A_163, %broadcast_in_dim3A_165, %slice3A_150 : vector<200x2048xi1>, vector<200x2048xf32>
    %reduce_max3A_167 = arith.constant dense<0xFF800000> : vector<200xf32>
    %reduce_max3A_168 = vector.multi_reduction <maximumf>, %select_n3A_166, %reduce_max3A_167 [1] : vector<200x2048xf32> to vector<200xf32>
    %broadcast_in_dim3A_169 = vector.shape_cast %reduce_max3A_168 : vector<200xf32> to vector<200x1xf32>
    %eq3A_170 = vector.broadcast %broadcast_in_dim3A_169 : vector<200x1xf32> to vector<200x2048xf32>
    %eq3A_171 = arith.cmpf oeq, %select_n3A_166, %eq3A_170 : vector<200x2048xf32>
    %jit3A_172 = arith.constant 1073741824 : i32
    %broadcast_in_dim3A_173 = vector.broadcast %jit3A_172 : i32 to vector<200x2048xi32>
    %select_n3A_174 = arith.select %eq3A_171, %add3A_149, %broadcast_in_dim3A_173 : vector<200x2048xi1>, vector<200x2048xi32>
    %reduce_min3A_175 = arith.constant dense<2147483647> : vector<200xi32>
    %reduce_min3A_176 = vector.multi_reduction <minsi>, %select_n3A_174, %reduce_min3A_175 [1] : vector<200x2048xi32> to vector<200xi32>
    %broadcast_in_dim3A_177 = vector.shape_cast %reduce_min3A_176 : vector<200xi32> to vector<200x1xi32>
    %eq3A_178 = vector.broadcast %broadcast_in_dim3A_177 : vector<200x1xi32> to vector<200x2048xi32>
    %eq3A_179 = arith.cmpi eq, %add3A_149, %eq3A_178 : vector<200x2048xi32>
    %jit3A_180 = arith.constant -1.000000e+00 : f32
    %broadcast_in_dim3A_181 = vector.broadcast %jit3A_180 : f32 to vector<200x2048xf32>
    %select_n3A_182 = arith.select %eq3A_179, %broadcast_in_dim3A_181, %select_n3A_166 : vector<200x2048xi1>, vector<200x2048xf32>
    %reduce_max3A_183 = arith.constant dense<0xFF800000> : vector<200xf32>
    %reduce_max3A_184 = vector.multi_reduction <maximumf>, %select_n3A_182, %reduce_max3A_183 [1] : vector<200x2048xf32> to vector<200xf32>
    %broadcast_in_dim3A_185 = vector.shape_cast %reduce_max3A_184 : vector<200xf32> to vector<200x1xf32>
    %eq3A_186 = vector.broadcast %broadcast_in_dim3A_185 : vector<200x1xf32> to vector<200x2048xf32>
    %eq3A_187 = arith.cmpf oeq, %select_n3A_182, %eq3A_186 : vector<200x2048xf32>
    %jit3A_188 = arith.constant 1073741824 : i32
    %broadcast_in_dim3A_189 = vector.broadcast %jit3A_188 : i32 to vector<200x2048xi32>
    %select_n3A_190 = arith.select %eq3A_187, %add3A_149, %broadcast_in_dim3A_189 : vector<200x2048xi1>, vector<200x2048xi32>
    %reduce_min3A_191 = arith.constant dense<2147483647> : vector<200xi32>
    %reduce_min3A_192 = vector.multi_reduction <minsi>, %select_n3A_190, %reduce_min3A_191 [1] : vector<200x2048xi32> to vector<200xi32>
    %broadcast_in_dim3A_193 = vector.shape_cast %reduce_min3A_192 : vector<200xi32> to vector<200x1xi32>
    %concatenate3A_194 = tpu.concatenate %broadcast_in_dim3A_105, %broadcast_in_dim3A_121, %broadcast_in_dim3A_137, %broadcast_in_dim3A_153, %broadcast_in_dim3A_169, %broadcast_in_dim3A_185 in 1 : vector<200x1xf32>, vector<200x1xf32>, vector<200x1xf32>, vector<200x1xf32>, vector<200x1xf32>, vector<200x1xf32> -> vector<200x6xf32>
    %concatenate3A_195 = tpu.concatenate %broadcast_in_dim3A_113, %broadcast_in_dim3A_129, %broadcast_in_dim3A_145, %broadcast_in_dim3A_161, %broadcast_in_dim3A_177, %broadcast_in_dim3A_193 in 1 : vector<200x1xi32>, vector<200x1xi32>, vector<200x1xi32>, vector<200x1xi32>, vector<200x1xi32>, vector<200x1xi32> -> vector<200x6xi32>
    %reduce_max3A_196 = arith.constant dense<0xFF800000> : vector<200xf32>
    %reduce_max3A_197 = vector.multi_reduction <maximumf>, %concatenate3A_194, %reduce_max3A_196 [1] : vector<200x6xf32> to vector<200xf32>
    %broadcast_in_dim3A_198 = vector.shape_cast %reduce_max3A_197 : vector<200xf32> to vector<200x1xf32>
    %eq3A_199 = vector.broadcast %broadcast_in_dim3A_198 : vector<200x1xf32> to vector<200x6xf32>
    %eq3A_200 = arith.cmpf oeq, %concatenate3A_194, %eq3A_199 : vector<200x6xf32>
    %jit3A_201 = arith.constant 1073741824 : i32
    %broadcast_in_dim3A_202 = vector.broadcast %jit3A_201 : i32 to vector<200x6xi32>
    %select_n3A_203 = arith.select %eq3A_200, %concatenate3A_195, %broadcast_in_dim3A_202 : vector<200x6xi1>, vector<200x6xi32>
    %reduce_min3A_204 = arith.constant dense<2147483647> : vector<200xi32>
    %reduce_min3A_205 = vector.multi_reduction <minsi>, %select_n3A_203, %reduce_min3A_204 [1] : vector<200x6xi32> to vector<200xi32>
    %broadcast_in_dim3A_206 = vector.shape_cast %reduce_min3A_205 : vector<200xi32> to vector<200x1xi32>
    %eq3A_207 = vector.broadcast %broadcast_in_dim3A_206 : vector<200x1xi32> to vector<200x6xi32>
    %eq3A_208 = arith.cmpi eq, %concatenate3A_195, %eq3A_207 : vector<200x6xi32>
    %jit3A_209 = arith.constant -1.000000e+00 : f32
    %broadcast_in_dim3A_210 = vector.broadcast %jit3A_209 : f32 to vector<200x6xf32>
    %select_n3A_211 = arith.select %eq3A_208, %broadcast_in_dim3A_210, %concatenate3A_194 : vector<200x6xi1>, vector<200x6xf32>
    %reduce_max3A_212 = arith.constant dense<0xFF800000> : vector<200xf32>
    %reduce_max3A_213 = vector.multi_reduction <maximumf>, %select_n3A_211, %reduce_max3A_212 [1] : vector<200x6xf32> to vector<200xf32>
    %broadcast_in_dim3A_214 = vector.shape_cast %reduce_max3A_213 : vector<200xf32> to vector<200x1xf32>
    %eq3A_215 = vector.broadcast %broadcast_in_dim3A_214 : vector<200x1xf32> to vector<200x6xf32>
    %eq3A_216 = arith.cmpf oeq, %select_n3A_211, %eq3A_215 : vector<200x6xf32>
    %jit3A_217 = arith.constant 1073741824 : i32
    %broadcast_in_dim3A_218 = vector.broadcast %jit3A_217 : i32 to vector<200x6xi32>
    %select_n3A_219 = arith.select %eq3A_216, %concatenate3A_195, %broadcast_in_dim3A_218 : vector<200x6xi1>, vector<200x6xi32>
    %reduce_min3A_220 = arith.constant dense<2147483647> : vector<200xi32>
    %reduce_min3A_221 = vector.multi_reduction <minsi>, %select_n3A_219, %reduce_min3A_220 [1] : vector<200x6xi32> to vector<200xi32>
    %broadcast_in_dim3A_222 = vector.shape_cast %reduce_min3A_221 : vector<200xi32> to vector<200x1xi32>
    %eq3A_223 = vector.broadcast %broadcast_in_dim3A_222 : vector<200x1xi32> to vector<200x6xi32>
    %eq3A_224 = arith.cmpi eq, %concatenate3A_195, %eq3A_223 : vector<200x6xi32>
    %jit3A_225 = arith.constant -1.000000e+00 : f32
    %broadcast_in_dim3A_226 = vector.broadcast %jit3A_225 : f32 to vector<200x6xf32>
    %select_n3A_227 = arith.select %eq3A_224, %broadcast_in_dim3A_226, %select_n3A_211 : vector<200x6xi1>, vector<200x6xf32>
    %reduce_max3A_228 = arith.constant dense<0xFF800000> : vector<200xf32>
    %reduce_max3A_229 = vector.multi_reduction <maximumf>, %select_n3A_227, %reduce_max3A_228 [1] : vector<200x6xf32> to vector<200xf32>
    %broadcast_in_dim3A_230 = vector.shape_cast %reduce_max3A_229 : vector<200xf32> to vector<200x1xf32>
    %eq3A_231 = vector.broadcast %broadcast_in_dim3A_230 : vector<200x1xf32> to vector<200x6xf32>
    %eq3A_232 = arith.cmpf oeq, %select_n3A_227, %eq3A_231 : vector<200x6xf32>
    %jit3A_233 = arith.constant 1073741824 : i32
    %broadcast_in_dim3A_234 = vector.broadcast %jit3A_233 : i32 to vector<200x6xi32>
    %select_n3A_235 = arith.select %eq3A_232, %concatenate3A_195, %broadcast_in_dim3A_234 : vector<200x6xi1>, vector<200x6xi32>
    %reduce_min3A_236 = arith.constant dense<2147483647> : vector<200xi32>
    %reduce_min3A_237 = vector.multi_reduction <minsi>, %select_n3A_235, %reduce_min3A_236 [1] : vector<200x6xi32> to vector<200xi32>
    %broadcast_in_dim3A_238 = vector.shape_cast %reduce_min3A_237 : vector<200xi32> to vector<200x1xi32>
    %iota3A_239 = tpu.iota {dimensions = array<i32: 1>} : vector<200x2048xi32>
    %add3A_240 = arith.constant 6144 : i32
    %add3A_241 = vector.broadcast %add3A_240 : i32 to vector<200x2048xi32>
    %add3A_242 = arith.addi %iota3A_239, %add3A_241 : vector<200x2048xi32>
    %slice3A_243 = vector.extract_strided_slice %get3A_1 {offsets = [0, 6144], sizes = [200, 2048], strides = [1, 1]} : vector<200x10240xf32> to vector<200x2048xf32>
    %reduce_max3A_244 = arith.constant dense<0xFF800000> : vector<200xf32>
    %reduce_max3A_245 = vector.multi_reduction <maximumf>, %slice3A_243, %reduce_max3A_244 [1] : vector<200x2048xf32> to vector<200xf32>
    %broadcast_in_dim3A_246 = vector.shape_cast %reduce_max3A_245 : vector<200xf32> to vector<200x1xf32>
    %eq3A_247 = vector.broadcast %broadcast_in_dim3A_246 : vector<200x1xf32> to vector<200x2048xf32>
    %eq3A_248 = arith.cmpf oeq, %slice3A_243, %eq3A_247 : vector<200x2048xf32>
    %jit3A_249 = arith.constant 1073741824 : i32
    %broadcast_in_dim3A_250 = vector.broadcast %jit3A_249 : i32 to vector<200x2048xi32>
    %select_n3A_251 = arith.select %eq3A_248, %add3A_242, %broadcast_in_dim3A_250 : vector<200x2048xi1>, vector<200x2048xi32>
    %reduce_min3A_252 = arith.constant dense<2147483647> : vector<200xi32>
    %reduce_min3A_253 = vector.multi_reduction <minsi>, %select_n3A_251, %reduce_min3A_252 [1] : vector<200x2048xi32> to vector<200xi32>
    %broadcast_in_dim3A_254 = vector.shape_cast %reduce_min3A_253 : vector<200xi32> to vector<200x1xi32>
    %eq3A_255 = vector.broadcast %broadcast_in_dim3A_254 : vector<200x1xi32> to vector<200x2048xi32>
    %eq3A_256 = arith.cmpi eq, %add3A_242, %eq3A_255 : vector<200x2048xi32>
    %jit3A_257 = arith.constant -1.000000e+00 : f32
    %broadcast_in_dim3A_258 = vector.broadcast %jit3A_257 : f32 to vector<200x2048xf32>
    %select_n3A_259 = arith.select %eq3A_256, %broadcast_in_dim3A_258, %slice3A_243 : vector<200x2048xi1>, vector<200x2048xf32>
    %reduce_max3A_260 = arith.constant dense<0xFF800000> : vector<200xf32>
    %reduce_max3A_261 = vector.multi_reduction <maximumf>, %select_n3A_259, %reduce_max3A_260 [1] : vector<200x2048xf32> to vector<200xf32>
    %broadcast_in_dim3A_262 = vector.shape_cast %reduce_max3A_261 : vector<200xf32> to vector<200x1xf32>
    %eq3A_263 = vector.broadcast %broadcast_in_dim3A_262 : vector<200x1xf32> to vector<200x2048xf32>
    %eq3A_264 = arith.cmpf oeq, %select_n3A_259, %eq3A_263 : vector<200x2048xf32>
    %jit3A_265 = arith.constant 1073741824 : i32
    %broadcast_in_dim3A_266 = vector.broadcast %jit3A_265 : i32 to vector<200x2048xi32>
    %select_n3A_267 = arith.select %eq3A_264, %add3A_242, %broadcast_in_dim3A_266 : vector<200x2048xi1>, vector<200x2048xi32>
    %reduce_min3A_268 = arith.constant dense<2147483647> : vector<200xi32>
    %reduce_min3A_269 = vector.multi_reduction <minsi>, %select_n3A_267, %reduce_min3A_268 [1] : vector<200x2048xi32> to vector<200xi32>
    %broadcast_in_dim3A_270 = vector.shape_cast %reduce_min3A_269 : vector<200xi32> to vector<200x1xi32>
    %eq3A_271 = vector.broadcast %broadcast_in_dim3A_270 : vector<200x1xi32> to vector<200x2048xi32>
    %eq3A_272 = arith.cmpi eq, %add3A_242, %eq3A_271 : vector<200x2048xi32>
    %jit3A_273 = arith.constant -1.000000e+00 : f32
    %broadcast_in_dim3A_274 = vector.broadcast %jit3A_273 : f32 to vector<200x2048xf32>
    %select_n3A_275 = arith.select %eq3A_272, %broadcast_in_dim3A_274, %select_n3A_259 : vector<200x2048xi1>, vector<200x2048xf32>
    %reduce_max3A_276 = arith.constant dense<0xFF800000> : vector<200xf32>
    %reduce_max3A_277 = vector.multi_reduction <maximumf>, %select_n3A_275, %reduce_max3A_276 [1] : vector<200x2048xf32> to vector<200xf32>
    %broadcast_in_dim3A_278 = vector.shape_cast %reduce_max3A_277 : vector<200xf32> to vector<200x1xf32>
    %eq3A_279 = vector.broadcast %broadcast_in_dim3A_278 : vector<200x1xf32> to vector<200x2048xf32>
    %eq3A_280 = arith.cmpf oeq, %select_n3A_275, %eq3A_279 : vector<200x2048xf32>
    %jit3A_281 = arith.constant 1073741824 : i32
    %broadcast_in_dim3A_282 = vector.broadcast %jit3A_281 : i32 to vector<200x2048xi32>
    %select_n3A_283 = arith.select %eq3A_280, %add3A_242, %broadcast_in_dim3A_282 : vector<200x2048xi1>, vector<200x2048xi32>
    %reduce_min3A_284 = arith.constant dense<2147483647> : vector<200xi32>
    %reduce_min3A_285 = vector.multi_reduction <minsi>, %select_n3A_283, %reduce_min3A_284 [1] : vector<200x2048xi32> to vector<200xi32>
    %broadcast_in_dim3A_286 = vector.shape_cast %reduce_min3A_285 : vector<200xi32> to vector<200x1xi32>
    %concatenate3A_287 = tpu.concatenate %broadcast_in_dim3A_198, %broadcast_in_dim3A_214, %broadcast_in_dim3A_230, %broadcast_in_dim3A_246, %broadcast_in_dim3A_262, %broadcast_in_dim3A_278 in 1 : vector<200x1xf32>, vector<200x1xf32>, vector<200x1xf32>, vector<200x1xf32>, vector<200x1xf32>, vector<200x1xf32> -> vector<200x6xf32>
    %concatenate3A_288 = tpu.concatenate %broadcast_in_dim3A_206, %broadcast_in_dim3A_222, %broadcast_in_dim3A_238, %broadcast_in_dim3A_254, %broadcast_in_dim3A_270, %broadcast_in_dim3A_286 in 1 : vector<200x1xi32>, vector<200x1xi32>, vector<200x1xi32>, vector<200x1xi32>, vector<200x1xi32>, vector<200x1xi32> -> vector<200x6xi32>
    %reduce_max3A_289 = arith.constant dense<0xFF800000> : vector<200xf32>
    %reduce_max3A_290 = vector.multi_reduction <maximumf>, %concatenate3A_287, %reduce_max3A_289 [1] : vector<200x6xf32> to vector<200xf32>
    %broadcast_in_dim3A_291 = vector.shape_cast %reduce_max3A_290 : vector<200xf32> to vector<200x1xf32>
    %eq3A_292 = vector.broadcast %broadcast_in_dim3A_291 : vector<200x1xf32> to vector<200x6xf32>
    %eq3A_293 = arith.cmpf oeq, %concatenate3A_287, %eq3A_292 : vector<200x6xf32>
    %jit3A_294 = arith.constant 1073741824 : i32
    %broadcast_in_dim3A_295 = vector.broadcast %jit3A_294 : i32 to vector<200x6xi32>
    %select_n3A_296 = arith.select %eq3A_293, %concatenate3A_288, %broadcast_in_dim3A_295 : vector<200x6xi1>, vector<200x6xi32>
    %reduce_min3A_297 = arith.constant dense<2147483647> : vector<200xi32>
    %reduce_min3A_298 = vector.multi_reduction <minsi>, %select_n3A_296, %reduce_min3A_297 [1] : vector<200x6xi32> to vector<200xi32>
    %broadcast_in_dim3A_299 = vector.shape_cast %reduce_min3A_298 : vector<200xi32> to vector<200x1xi32>
    %eq3A_300 = vector.broadcast %broadcast_in_dim3A_299 : vector<200x1xi32> to vector<200x6xi32>
    %eq3A_301 = arith.cmpi eq, %concatenate3A_288, %eq3A_300 : vector<200x6xi32>
    %jit3A_302 = arith.constant -1.000000e+00 : f32
    %broadcast_in_dim3A_303 = vector.broadcast %jit3A_302 : f32 to vector<200x6xf32>
    %select_n3A_304 = arith.select %eq3A_301, %broadcast_in_dim3A_303, %concatenate3A_287 : vector<200x6xi1>, vector<200x6xf32>
    %reduce_max3A_305 = arith.constant dense<0xFF800000> : vector<200xf32>
    %reduce_max3A_306 = vector.multi_reduction <maximumf>, %select_n3A_304, %reduce_max3A_305 [1] : vector<200x6xf32> to vector<200xf32>
    %broadcast_in_dim3A_307 = vector.shape_cast %reduce_max3A_306 : vector<200xf32> to vector<200x1xf32>
    %eq3A_308 = vector.broadcast %broadcast_in_dim3A_307 : vector<200x1xf32> to vector<200x6xf32>
    %eq3A_309 = arith.cmpf oeq, %select_n3A_304, %eq3A_308 : vector<200x6xf32>
    %jit3A_310 = arith.constant 1073741824 : i32
    %broadcast_in_dim3A_311 = vector.broadcast %jit3A_310 : i32 to vector<200x6xi32>
    %select_n3A_312 = arith.select %eq3A_309, %concatenate3A_288, %broadcast_in_dim3A_311 : vector<200x6xi1>, vector<200x6xi32>
    %reduce_min3A_313 = arith.constant dense<2147483647> : vector<200xi32>
    %reduce_min3A_314 = vector.multi_reduction <minsi>, %select_n3A_312, %reduce_min3A_313 [1] : vector<200x6xi32> to vector<200xi32>
    %broadcast_in_dim3A_315 = vector.shape_cast %reduce_min3A_314 : vector<200xi32> to vector<200x1xi32>
    %eq3A_316 = vector.broadcast %broadcast_in_dim3A_315 : vector<200x1xi32> to vector<200x6xi32>
    %eq3A_317 = arith.cmpi eq, %concatenate3A_288, %eq3A_316 : vector<200x6xi32>
    %jit3A_318 = arith.constant -1.000000e+00 : f32
    %broadcast_in_dim3A_319 = vector.broadcast %jit3A_318 : f32 to vector<200x6xf32>
    %select_n3A_320 = arith.select %eq3A_317, %broadcast_in_dim3A_319, %select_n3A_304 : vector<200x6xi1>, vector<200x6xf32>
    %reduce_max3A_321 = arith.constant dense<0xFF800000> : vector<200xf32>
    %reduce_max3A_322 = vector.multi_reduction <maximumf>, %select_n3A_320, %reduce_max3A_321 [1] : vector<200x6xf32> to vector<200xf32>
    %broadcast_in_dim3A_323 = vector.shape_cast %reduce_max3A_322 : vector<200xf32> to vector<200x1xf32>
    %eq3A_324 = vector.broadcast %broadcast_in_dim3A_323 : vector<200x1xf32> to vector<200x6xf32>
    %eq3A_325 = arith.cmpf oeq, %select_n3A_320, %eq3A_324 : vector<200x6xf32>
    %jit3A_326 = arith.constant 1073741824 : i32
    %broadcast_in_dim3A_327 = vector.broadcast %jit3A_326 : i32 to vector<200x6xi32>
    %select_n3A_328 = arith.select %eq3A_325, %concatenate3A_288, %broadcast_in_dim3A_327 : vector<200x6xi1>, vector<200x6xi32>
    %reduce_min3A_329 = arith.constant dense<2147483647> : vector<200xi32>
    %reduce_min3A_330 = vector.multi_reduction <minsi>, %select_n3A_328, %reduce_min3A_329 [1] : vector<200x6xi32> to vector<200xi32>
    %broadcast_in_dim3A_331 = vector.shape_cast %reduce_min3A_330 : vector<200xi32> to vector<200x1xi32>
    %iota3A_332 = tpu.iota {dimensions = array<i32: 1>} : vector<200x2048xi32>
    %add3A_333 = arith.constant 8192 : i32
    %add3A_334 = vector.broadcast %add3A_333 : i32 to vector<200x2048xi32>
    %add3A_335 = arith.addi %iota3A_332, %add3A_334 : vector<200x2048xi32>
    %slice3A_336 = vector.extract_strided_slice %get3A_1 {offsets = [0, 8192], sizes = [200, 2048], strides = [1, 1]} : vector<200x10240xf32> to vector<200x2048xf32>
    %reduce_max3A_337 = arith.constant dense<0xFF800000> : vector<200xf32>
    %reduce_max3A_338 = vector.multi_reduction <maximumf>, %slice3A_336, %reduce_max3A_337 [1] : vector<200x2048xf32> to vector<200xf32>
    %broadcast_in_dim3A_339 = vector.shape_cast %reduce_max3A_338 : vector<200xf32> to vector<200x1xf32>
    %eq3A_340 = vector.broadcast %broadcast_in_dim3A_339 : vector<200x1xf32> to vector<200x2048xf32>
    %eq3A_341 = arith.cmpf oeq, %slice3A_336, %eq3A_340 : vector<200x2048xf32>
    %jit3A_342 = arith.constant 1073741824 : i32
    %broadcast_in_dim3A_343 = vector.broadcast %jit3A_342 : i32 to vector<200x2048xi32>
    %select_n3A_344 = arith.select %eq3A_341, %add3A_335, %broadcast_in_dim3A_343 : vector<200x2048xi1>, vector<200x2048xi32>
    %reduce_min3A_345 = arith.constant dense<2147483647> : vector<200xi32>
    %reduce_min3A_346 = vector.multi_reduction <minsi>, %select_n3A_344, %reduce_min3A_345 [1] : vector<200x2048xi32> to vector<200xi32>
    %broadcast_in_dim3A_347 = vector.shape_cast %reduce_min3A_346 : vector<200xi32> to vector<200x1xi32>
    %eq3A_348 = vector.broadcast %broadcast_in_dim3A_347 : vector<200x1xi32> to vector<200x2048xi32>
    %eq3A_349 = arith.cmpi eq, %add3A_335, %eq3A_348 : vector<200x2048xi32>
    %jit3A_350 = arith.constant -1.000000e+00 : f32
    %broadcast_in_dim3A_351 = vector.broadcast %jit3A_350 : f32 to vector<200x2048xf32>
    %select_n3A_352 = arith.select %eq3A_349, %broadcast_in_dim3A_351, %slice3A_336 : vector<200x2048xi1>, vector<200x2048xf32>
    %reduce_max3A_353 = arith.constant dense<0xFF800000> : vector<200xf32>
    %reduce_max3A_354 = vector.multi_reduction <maximumf>, %select_n3A_352, %reduce_max3A_353 [1] : vector<200x2048xf32> to vector<200xf32>
    %broadcast_in_dim3A_355 = vector.shape_cast %reduce_max3A_354 : vector<200xf32> to vector<200x1xf32>
    %eq3A_356 = vector.broadcast %broadcast_in_dim3A_355 : vector<200x1xf32> to vector<200x2048xf32>
    %eq3A_357 = arith.cmpf oeq, %select_n3A_352, %eq3A_356 : vector<200x2048xf32>
    %jit3A_358 = arith.constant 1073741824 : i32
    %broadcast_in_dim3A_359 = vector.broadcast %jit3A_358 : i32 to vector<200x2048xi32>
    %select_n3A_360 = arith.select %eq3A_357, %add3A_335, %broadcast_in_dim3A_359 : vector<200x2048xi1>, vector<200x2048xi32>
    %reduce_min3A_361 = arith.constant dense<2147483647> : vector<200xi32>
    %reduce_min3A_362 = vector.multi_reduction <minsi>, %select_n3A_360, %reduce_min3A_361 [1] : vector<200x2048xi32> to vector<200xi32>
    %broadcast_in_dim3A_363 = vector.shape_cast %reduce_min3A_362 : vector<200xi32> to vector<200x1xi32>
    %eq3A_364 = vector.broadcast %broadcast_in_dim3A_363 : vector<200x1xi32> to vector<200x2048xi32>
    %eq3A_365 = arith.cmpi eq, %add3A_335, %eq3A_364 : vector<200x2048xi32>
    %jit3A_366 = arith.constant -1.000000e+00 : f32
    %broadcast_in_dim3A_367 = vector.broadcast %jit3A_366 : f32 to vector<200x2048xf32>
    %select_n3A_368 = arith.select %eq3A_365, %broadcast_in_dim3A_367, %select_n3A_352 : vector<200x2048xi1>, vector<200x2048xf32>
    %reduce_max3A_369 = arith.constant dense<0xFF800000> : vector<200xf32>
    %reduce_max3A_370 = vector.multi_reduction <maximumf>, %select_n3A_368, %reduce_max3A_369 [1] : vector<200x2048xf32> to vector<200xf32>
    %broadcast_in_dim3A_371 = vector.shape_cast %reduce_max3A_370 : vector<200xf32> to vector<200x1xf32>
    %eq3A_372 = vector.broadcast %broadcast_in_dim3A_371 : vector<200x1xf32> to vector<200x2048xf32>
    %eq3A_373 = arith.cmpf oeq, %select_n3A_368, %eq3A_372 : vector<200x2048xf32>
    %jit3A_374 = arith.constant 1073741824 : i32
    %broadcast_in_dim3A_375 = vector.broadcast %jit3A_374 : i32 to vector<200x2048xi32>
    %select_n3A_376 = arith.select %eq3A_373, %add3A_335, %broadcast_in_dim3A_375 : vector<200x2048xi1>, vector<200x2048xi32>
    %reduce_min3A_377 = arith.constant dense<2147483647> : vector<200xi32>
    %reduce_min3A_378 = vector.multi_reduction <minsi>, %select_n3A_376, %reduce_min3A_377 [1] : vector<200x2048xi32> to vector<200xi32>
    %broadcast_in_dim3A_379 = vector.shape_cast %reduce_min3A_378 : vector<200xi32> to vector<200x1xi32>
    %concatenate3A_380 = tpu.concatenate %broadcast_in_dim3A_291, %broadcast_in_dim3A_307, %broadcast_in_dim3A_323, %broadcast_in_dim3A_339, %broadcast_in_dim3A_355, %broadcast_in_dim3A_371 in 1 : vector<200x1xf32>, vector<200x1xf32>, vector<200x1xf32>, vector<200x1xf32>, vector<200x1xf32>, vector<200x1xf32> -> vector<200x6xf32>
    %concatenate3A_381 = tpu.concatenate %broadcast_in_dim3A_299, %broadcast_in_dim3A_315, %broadcast_in_dim3A_331, %broadcast_in_dim3A_347, %broadcast_in_dim3A_363, %broadcast_in_dim3A_379 in 1 : vector<200x1xi32>, vector<200x1xi32>, vector<200x1xi32>, vector<200x1xi32>, vector<200x1xi32>, vector<200x1xi32> -> vector<200x6xi32>
    %reduce_max3A_382 = arith.constant dense<0xFF800000> : vector<200xf32>
    %reduce_max3A_383 = vector.multi_reduction <maximumf>, %concatenate3A_380, %reduce_max3A_382 [1] : vector<200x6xf32> to vector<200xf32>
    %broadcast_in_dim3A_384 = vector.shape_cast %reduce_max3A_383 : vector<200xf32> to vector<200x1xf32>
    %eq3A_385 = vector.broadcast %broadcast_in_dim3A_384 : vector<200x1xf32> to vector<200x6xf32>
    %eq3A_386 = arith.cmpf oeq, %concatenate3A_380, %eq3A_385 : vector<200x6xf32>
    %jit3A_387 = arith.constant 1073741824 : i32
    %broadcast_in_dim3A_388 = vector.broadcast %jit3A_387 : i32 to vector<200x6xi32>
    %select_n3A_389 = arith.select %eq3A_386, %concatenate3A_381, %broadcast_in_dim3A_388 : vector<200x6xi1>, vector<200x6xi32>
    %reduce_min3A_390 = arith.constant dense<2147483647> : vector<200xi32>
    %reduce_min3A_391 = vector.multi_reduction <minsi>, %select_n3A_389, %reduce_min3A_390 [1] : vector<200x6xi32> to vector<200xi32>
    %broadcast_in_dim3A_392 = vector.shape_cast %reduce_min3A_391 : vector<200xi32> to vector<200x1xi32>
    %eq3A_393 = vector.broadcast %broadcast_in_dim3A_392 : vector<200x1xi32> to vector<200x6xi32>
    %eq3A_394 = arith.cmpi eq, %concatenate3A_381, %eq3A_393 : vector<200x6xi32>
    %jit3A_395 = arith.constant -1.000000e+00 : f32
    %broadcast_in_dim3A_396 = vector.broadcast %jit3A_395 : f32 to vector<200x6xf32>
    %select_n3A_397 = arith.select %eq3A_394, %broadcast_in_dim3A_396, %concatenate3A_380 : vector<200x6xi1>, vector<200x6xf32>
    %reduce_max3A_398 = arith.constant dense<0xFF800000> : vector<200xf32>
    %reduce_max3A_399 = vector.multi_reduction <maximumf>, %select_n3A_397, %reduce_max3A_398 [1] : vector<200x6xf32> to vector<200xf32>
    %broadcast_in_dim3A_400 = vector.shape_cast %reduce_max3A_399 : vector<200xf32> to vector<200x1xf32>
    %eq3A_401 = vector.broadcast %broadcast_in_dim3A_400 : vector<200x1xf32> to vector<200x6xf32>
    %eq3A_402 = arith.cmpf oeq, %select_n3A_397, %eq3A_401 : vector<200x6xf32>
    %jit3A_403 = arith.constant 1073741824 : i32
    %broadcast_in_dim3A_404 = vector.broadcast %jit3A_403 : i32 to vector<200x6xi32>
    %select_n3A_405 = arith.select %eq3A_402, %concatenate3A_381, %broadcast_in_dim3A_404 : vector<200x6xi1>, vector<200x6xi32>
    %reduce_min3A_406 = arith.constant dense<2147483647> : vector<200xi32>
    %reduce_min3A_407 = vector.multi_reduction <minsi>, %select_n3A_405, %reduce_min3A_406 [1] : vector<200x6xi32> to vector<200xi32>
    %broadcast_in_dim3A_408 = vector.shape_cast %reduce_min3A_407 : vector<200xi32> to vector<200x1xi32>
    %eq3A_409 = vector.broadcast %broadcast_in_dim3A_408 : vector<200x1xi32> to vector<200x6xi32>
    %eq3A_410 = arith.cmpi eq, %concatenate3A_381, %eq3A_409 : vector<200x6xi32>
    %jit3A_411 = arith.constant -1.000000e+00 : f32
    %broadcast_in_dim3A_412 = vector.broadcast %jit3A_411 : f32 to vector<200x6xf32>
    %select_n3A_413 = arith.select %eq3A_410, %broadcast_in_dim3A_412, %select_n3A_397 : vector<200x6xi1>, vector<200x6xf32>
    %reduce_max3A_414 = arith.constant dense<0xFF800000> : vector<200xf32>
    %reduce_max3A_415 = vector.multi_reduction <maximumf>, %select_n3A_413, %reduce_max3A_414 [1] : vector<200x6xf32> to vector<200xf32>
    %broadcast_in_dim3A_416 = vector.shape_cast %reduce_max3A_415 : vector<200xf32> to vector<200x1xf32>
    %eq3A_417 = vector.broadcast %broadcast_in_dim3A_416 : vector<200x1xf32> to vector<200x6xf32>
    %eq3A_418 = arith.cmpf oeq, %select_n3A_413, %eq3A_417 : vector<200x6xf32>
    %jit3A_419 = arith.constant 1073741824 : i32
    %broadcast_in_dim3A_420 = vector.broadcast %jit3A_419 : i32 to vector<200x6xi32>
    %select_n3A_421 = arith.select %eq3A_418, %concatenate3A_381, %broadcast_in_dim3A_420 : vector<200x6xi1>, vector<200x6xi32>
    %reduce_min3A_422 = arith.constant dense<2147483647> : vector<200xi32>
    %reduce_min3A_423 = vector.multi_reduction <minsi>, %select_n3A_421, %reduce_min3A_422 [1] : vector<200x6xi32> to vector<200xi32>
    %broadcast_in_dim3A_424 = vector.shape_cast %reduce_min3A_423 : vector<200xi32> to vector<200x1xi32>
    %broadcast_in_dim3A_425 = arith.constant 1073741824 : i32
    %broadcast_in_dim3A_426 = vector.broadcast %broadcast_in_dim3A_425 : i32 to vector<200x5xi32>
    %concatenate3A_427 = tpu.concatenate %broadcast_in_dim3A_392, %broadcast_in_dim3A_408, %broadcast_in_dim3A_424, %broadcast_in_dim3A_426 in 1 : vector<200x1xi32>, vector<200x1xi32>, vector<200x1xi32>, vector<200x5xi32> -> vector<200x8xi32>
    %swap3A_428 = arith.constant 0 : index
    %swap3A_429 = arith.constant 0 : index
    %swap3A_430 = vector.load %arg5[%swap3A_428, %swap3A_429] : memref<200x8xi32, #tpu.memory_space<vmem>>, vector<200x8xi32>
    tpu.vector_store %arg5[%swap3A_428, %swap3A_429], %concatenate3A_427 {strides = array<i32>} : memref<200x8xi32, #tpu.memory_space<vmem>>, vector<200x8xi32>,
    return
  }
  func.func @transform_0(%arg0: i32) -> (i32, i32) {
    %c0_i32 = arith.constant 0 : i32
    %c0_i32_0 = arith.constant 0 : i32
    return %arg0, %c0_i32 : i32, i32
  }
  func.func @transform_1(%arg0: i32) -> (i32, i32) {
    %c0_i32 = arith.constant 0 : i32
    %c0_i32_0 = arith.constant 0 : i32
    %c0_i32_1 = arith.constant 0 : i32
    return %c0_i32, %c0_i32_0 : i32, i32
  }
  func.func @transform_2(%arg0: i32) -> (i32, i32) {
    %c0_i32 = arith.constant 0 : i32
    %c0_i32_0 = arith.constant 0 : i32
    %c0_i32_1 = arith.constant 0 : i32
    return %c0_i32, %c0_i32_0 : i32, i32
  }
  func.func @transform_3(%arg0: i32) -> (i32, i32) {
    %c0_i32 = arith.constant 0 : i32
    %c0_i32_0 = arith.constant 0 : i32
    return %arg0, %c0_i32 : i32, i32
  }
  func.func @transform_4(%arg0: i32) -> (i32, i32) {
    %c0_i32 = arith.constant 0 : i32
    %c0_i32_0 = arith.constant 0 : i32
    return %arg0, %c0_i32 : i32, i32
  }
}

module attributes {stable_mosaic.version = 14 : i64} {
  func.func @_xw_body(%arg0: i32, %arg1: memref<200x256xf32, #tpu.memory_space<vmem>>, %arg2: memref<256x128xf32, #tpu.memory_space<vmem>>, %arg3: memref<200x128xf32, #tpu.memory_space<vmem>>) attributes {dimension_semantics = [#tpu.dimension_semantics<arbitrary>], iteration_bounds = array<i64: 50>, scalar_prefetch = 0 : i64, scratch_operands = 0 : i64, tpu.core_type = #tpu.core_type<tc>, window_params = [{transform_indices = @transform_0, window_bounds = array<i64: 200, 256>}, {pipeline_mode = #tpu.pipeline_mode<synchronous>, transform_indices = @transform_1, window_bounds = array<i64: 256, 128>}, {transform_indices = @transform_2, window_bounds = array<i64: 200, 128>}]} {
    %get3A = arith.constant 0 : index
    %get3A_0 = arith.constant 0 : index
    %get3A_1 = vector.load %arg1[%get3A, %get3A_0] : memref<200x256xf32, #tpu.memory_space<vmem>>, vector<200x256xf32>
    %get3A_2 = arith.constant 0 : index
    %get3A_3 = arith.constant 0 : index
    %get3A_4 = vector.load %arg2[%get3A_2, %get3A_3] : memref<256x128xf32, #tpu.memory_space<vmem>>, vector<256x128xf32>
    %dot_general3A = arith.constant dense<0.000000e+00> : vector<200x128xf32>
    %dot_general3A_5 = tpu.matmul %get3A_1, %get3A_4, %dot_general3A {dimension_numbers = #tpu.dot_dimension_numbers<[1], [0], [0], [1], [0, 0, 1, 1], [], []>, transpose_lhs_hint = false} : vector<200x256xf32>, vector<256x128xf32>, vector<200x128xf32> -> vector<200x128xf32>
    %swap3A = arith.constant 0 : index
    %swap3A_6 = arith.constant 0 : index
    %swap3A_7 = vector.load %arg3[%swap3A, %swap3A_6] : memref<200x128xf32, #tpu.memory_space<vmem>>, vector<200x128xf32>
    tpu.vector_store %arg3[%swap3A, %swap3A_6], %dot_general3A_5 {strides = array<i32>} : memref<200x128xf32, #tpu.memory_space<vmem>>, vector<200x128xf32>,
    return
  }
  func.func @transform_0(%arg0: i32) -> (i32, i32) {
    %c0_i32 = arith.constant 0 : i32
    %c0_i32_0 = arith.constant 0 : i32
    return %arg0, %c0_i32 : i32, i32
  }
  func.func @transform_1(%arg0: i32) -> (i32, i32) {
    %c0_i32 = arith.constant 0 : i32
    %c0_i32_0 = arith.constant 0 : i32
    %c0_i32_1 = arith.constant 0 : i32
    return %c0_i32, %c0_i32_0 : i32, i32
  }
  func.func @transform_2(%arg0: i32) -> (i32, i32) {
    %c0_i32 = arith.constant 0 : i32
    %c0_i32_0 = arith.constant 0 : i32
    return %arg0, %c0_i32 : i32, i32
  }
}

module attributes {stable_mosaic.version = 14 : i64} {
  func.func @_mm2_body(%arg0: i32, %arg1: memref<200x10240xf32, #tpu.memory_space<vmem>>, %arg2: memref<10240x128xf32, #tpu.memory_space<vmem>>, %arg3: memref<1x128xf32, #tpu.memory_space<vmem>>, %arg4: memref<200x128xf32, #tpu.memory_space<vmem>>) attributes {dimension_semantics = [#tpu.dimension_semantics<arbitrary>], iteration_bounds = array<i64: 50>, scalar_prefetch = 0 : i64, scratch_operands = 0 : i64, tpu.core_type = #tpu.core_type<tc>, window_params = [{transform_indices = @transform_0, window_bounds = array<i64: 200, 10240>}, {pipeline_mode = #tpu.pipeline_mode<synchronous>, transform_indices = @transform_1, window_bounds = array<i64: 10240, 128>}, {pipeline_mode = #tpu.pipeline_mode<synchronous>, transform_indices = @transform_2, window_bounds = array<i64: 1, 128>}, {transform_indices = @transform_3, window_bounds = array<i64: 200, 128>}]} {
    %get3A = arith.constant 0 : index
    %get3A_0 = arith.constant 0 : index
    %get3A_1 = vector.load %arg1[%get3A, %get3A_0] : memref<200x10240xf32, #tpu.memory_space<vmem>>, vector<200x10240xf32>
    %get3A_2 = arith.constant 0 : index
    %get3A_3 = arith.constant 0 : index
    %get3A_4 = vector.load %arg2[%get3A_2, %get3A_3] : memref<10240x128xf32, #tpu.memory_space<vmem>>, vector<10240x128xf32>
    %dot_general3A = arith.constant dense<0.000000e+00> : vector<200x128xf32>
    %dot_general3A_5 = tpu.matmul %get3A_1, %get3A_4, %dot_general3A {dimension_numbers = #tpu.dot_dimension_numbers<[1], [0], [0], [1], [0, 0, 1, 1], [], []>, transpose_lhs_hint = false} : vector<200x10240xf32>, vector<10240x128xf32>, vector<200x128xf32> -> vector<200x128xf32>
    %get3A_6 = arith.constant 0 : index
    %get3A_7 = arith.constant 0 : index
    %get3A_8 = vector.load %arg3[%get3A_6, %get3A_7] : memref<1x128xf32, #tpu.memory_space<vmem>>, vector<1x128xf32>
    %add3A = vector.broadcast %get3A_8 : vector<1x128xf32> to vector<200x128xf32>
    %add3A_9 = arith.addf %dot_general3A_5, %add3A : vector<200x128xf32>
    %swap3A = arith.constant 0 : index
    %swap3A_10 = arith.constant 0 : index
    %swap3A_11 = vector.load %arg4[%swap3A, %swap3A_10] : memref<200x128xf32, #tpu.memory_space<vmem>>, vector<200x128xf32>
    tpu.vector_store %arg4[%swap3A, %swap3A_10], %add3A_9 {strides = array<i32>} : memref<200x128xf32, #tpu.memory_space<vmem>>, vector<200x128xf32>,
    return
  }
  func.func @transform_0(%arg0: i32) -> (i32, i32) {
    %c0_i32 = arith.constant 0 : i32
    %c0_i32_0 = arith.constant 0 : i32
    return %arg0, %c0_i32 : i32, i32
  }
  func.func @transform_1(%arg0: i32) -> (i32, i32) {
    %c0_i32 = arith.constant 0 : i32
    %c0_i32_0 = arith.constant 0 : i32
    %c0_i32_1 = arith.constant 0 : i32
    return %c0_i32, %c0_i32_0 : i32, i32
  }
  func.func @transform_2(%arg0: i32) -> (i32, i32) {
    %c0_i32 = arith.constant 0 : i32
    %c0_i32_0 = arith.constant 0 : i32
    %c0_i32_1 = arith.constant 0 : i32
    return %c0_i32, %c0_i32_0 : i32, i32
  }
  func.func @transform_3(%arg0: i32) -> (i32, i32) {
    %c0_i32 = arith.constant 0 : i32
    %c0_i32_0 = arith.constant 0 : i32
    return %arg0, %c0_i32 : i32, i32
  }
}

module attributes {stable_mosaic.version = 14 : i64} {
  func.func @_tail_body(%arg0: memref<8x1024x128xf32, #tpu.memory_space<vmem>>, %arg1: memref<128x128xf32, #tpu.memory_space<vmem>>, %arg2: memref<128x128xf32, #tpu.memory_space<vmem>>, %arg3: memref<1x256xf32, #tpu.memory_space<vmem>>, %arg4: memref<1x1xf32, #tpu.memory_space<vmem>>, %arg5: memref<1x1024xf32, #tpu.memory_space<vmem>>) attributes {dimension_semantics = [], scalar_prefetch = 0 : i64, scratch_operands = 0 : i64, tpu.core_type = #tpu.core_type<tc>} {
    %get3A = arith.constant 0 : index
    %get3A_0 = arith.constant 0 : index
    %get3A_1 = arith.constant 0 : index
    %get3A_2 = vector.load %arg0[%get3A, %get3A_0, %get3A_1] : memref<8x1024x128xf32, #tpu.memory_space<vmem>>, vector<1x1024x128xf32>
    %get3A_3 = vector.shape_cast %get3A_2 : vector<1x1024x128xf32> to vector<1024x128xf32>
    %get3A_4 = arith.constant 1 : index
    %get3A_5 = arith.constant 0 : index
    %get3A_6 = arith.constant 0 : index
    %get3A_7 = vector.load %arg0[%get3A_4, %get3A_5, %get3A_6] : memref<8x1024x128xf32, #tpu.memory_space<vmem>>, vector<1x1024x128xf32>
    %get3A_8 = vector.shape_cast %get3A_7 : vector<1x1024x128xf32> to vector<1024x128xf32>
    %add3A = arith.addf %get3A_3, %get3A_8 : vector<1024x128xf32>
    %get3A_9 = arith.constant 2 : index
    %get3A_10 = arith.constant 0 : index
    %get3A_11 = arith.constant 0 : index
    %get3A_12 = vector.load %arg0[%get3A_9, %get3A_10, %get3A_11] : memref<8x1024x128xf32, #tpu.memory_space<vmem>>, vector<1x1024x128xf32>
    %get3A_13 = vector.shape_cast %get3A_12 : vector<1x1024x128xf32> to vector<1024x128xf32>
    %add3A_14 = arith.addf %add3A, %get3A_13 : vector<1024x128xf32>
    %get3A_15 = arith.constant 5 : index
    %get3A_16 = arith.constant 0 : index
    %get3A_17 = arith.constant 0 : index
    %get3A_18 = vector.load %arg0[%get3A_15, %get3A_16, %get3A_17] : memref<8x1024x128xf32, #tpu.memory_space<vmem>>, vector<1x1024x128xf32>
    %get3A_19 = vector.shape_cast %get3A_18 : vector<1x1024x128xf32> to vector<1024x128xf32>
    %add3A_20 = arith.addf %add3A_14, %get3A_19 : vector<1024x128xf32>
    %mul3A = arith.constant 2.500000e-01 : f32
    %mul3A_21 = vector.broadcast %mul3A : f32 to vector<1024x128xf32>
    %mul3A_22 = arith.mulf %add3A_20, %mul3A_21 : vector<1024x128xf32>
    %get3A_23 = arith.constant 3 : index
    %get3A_24 = arith.constant 0 : index
    %get3A_25 = arith.constant 0 : index
    %get3A_26 = vector.load %arg0[%get3A_23, %get3A_24, %get3A_25] : memref<8x1024x128xf32, #tpu.memory_space<vmem>>, vector<1x1024x128xf32>
    %get3A_27 = vector.shape_cast %get3A_26 : vector<1x1024x128xf32> to vector<1024x128xf32>
    %add3A_28 = arith.addf %add3A, %get3A_27 : vector<1024x128xf32>
    %get3A_29 = arith.constant 6 : index
    %get3A_30 = arith.constant 0 : index
    %get3A_31 = arith.constant 0 : index
    %get3A_32 = vector.load %arg0[%get3A_29, %get3A_30, %get3A_31] : memref<8x1024x128xf32, #tpu.memory_space<vmem>>, vector<1x1024x128xf32>
    %get3A_33 = vector.shape_cast %get3A_32 : vector<1x1024x128xf32> to vector<1024x128xf32>
    %add3A_34 = arith.addf %add3A_28, %get3A_33 : vector<1024x128xf32>
    %mul3A_35 = arith.constant 2.500000e-01 : f32
    %mul3A_36 = vector.broadcast %mul3A_35 : f32 to vector<1024x128xf32>
    %mul3A_37 = arith.mulf %add3A_34, %mul3A_36 : vector<1024x128xf32>
    %get3A_38 = arith.constant 4 : index
    %get3A_39 = arith.constant 0 : index
    %get3A_40 = arith.constant 0 : index
    %get3A_41 = vector.load %arg0[%get3A_38, %get3A_39, %get3A_40] : memref<8x1024x128xf32, #tpu.memory_space<vmem>>, vector<1x1024x128xf32>
    %get3A_42 = vector.shape_cast %get3A_41 : vector<1x1024x128xf32> to vector<1024x128xf32>
    %add3A_43 = arith.addf %add3A, %get3A_42 : vector<1024x128xf32>
    %get3A_44 = arith.constant 7 : index
    %get3A_45 = arith.constant 0 : index
    %get3A_46 = arith.constant 0 : index
    %get3A_47 = vector.load %arg0[%get3A_44, %get3A_45, %get3A_46] : memref<8x1024x128xf32, #tpu.memory_space<vmem>>, vector<1x1024x128xf32>
    %get3A_48 = vector.shape_cast %get3A_47 : vector<1x1024x128xf32> to vector<1024x128xf32>
    %add3A_49 = arith.addf %add3A_43, %get3A_48 : vector<1024x128xf32>
    %mul3A_50 = arith.constant 2.500000e-01 : f32
    %mul3A_51 = vector.broadcast %mul3A_50 : f32 to vector<1024x128xf32>
    %mul3A_52 = arith.mulf %add3A_49, %mul3A_51 : vector<1024x128xf32>
    %get3A_53 = arith.constant 0 : index
    %get3A_54 = arith.constant 0 : index
    %get3A_55 = vector.load %arg1[%get3A_53, %get3A_54] : memref<128x128xf32, #tpu.memory_space<vmem>>, vector<128x128xf32>
    %dot_general3A = arith.constant dense<0.000000e+00> : vector<1024x128xf32>
    %dot_general3A_56 = tpu.matmul %get3A_3, %get3A_55, %dot_general3A {dimension_numbers = #tpu.dot_dimension_numbers<[1], [0], [0], [1], [0, 0, 1, 1], [], []>, transpose_lhs_hint = false} : vector<1024x128xf32>, vector<128x128xf32>, vector<1024x128xf32> -> vector<1024x128xf32>
    %get3A_57 = arith.constant 0 : index
    %get3A_58 = arith.constant 0 : index
    %get3A_59 = vector.load %arg1[%get3A_57, %get3A_58] : memref<128x128xf32, #tpu.memory_space<vmem>>, vector<128x128xf32>
    %dot_general3A_60 = arith.constant dense<0.000000e+00> : vector<1024x128xf32>
    %dot_general3A_61 = tpu.matmul %get3A_8, %get3A_59, %dot_general3A_60 {dimension_numbers = #tpu.dot_dimension_numbers<[1], [0], [0], [1], [0, 0, 1, 1], [], []>, transpose_lhs_hint = false} : vector<1024x128xf32>, vector<128x128xf32>, vector<1024x128xf32> -> vector<1024x128xf32>
    %get3A_62 = arith.constant 0 : index
    %get3A_63 = arith.constant 0 : index
    %get3A_64 = vector.load %arg2[%get3A_62, %get3A_63] : memref<128x128xf32, #tpu.memory_space<vmem>>, vector<128x128xf32>
    %dot_general3A_65 = arith.constant dense<0.000000e+00> : vector<1024x128xf32>
    %dot_general3A_66 = tpu.matmul %mul3A_22, %get3A_64, %dot_general3A_65 {dimension_numbers = #tpu.dot_dimension_numbers<[1], [0], [0], [1], [0, 0, 1, 1], [], []>, transpose_lhs_hint = false} : vector<1024x128xf32>, vector<128x128xf32>, vector<1024x128xf32> -> vector<1024x128xf32>
    %get3A_67 = arith.constant 0 : index
    %get3A_68 = arith.constant 0 : index
    %get3A_69 = vector.load %arg2[%get3A_67, %get3A_68] : memref<128x128xf32, #tpu.memory_space<vmem>>, vector<128x128xf32>
    %dot_general3A_70 = arith.constant dense<0.000000e+00> : vector<1024x128xf32>
    %dot_general3A_71 = tpu.matmul %mul3A_37, %get3A_69, %dot_general3A_70 {dimension_numbers = #tpu.dot_dimension_numbers<[1], [0], [0], [1], [0, 0, 1, 1], [], []>, transpose_lhs_hint = false} : vector<1024x128xf32>, vector<128x128xf32>, vector<1024x128xf32> -> vector<1024x128xf32>
    %get3A_72 = arith.constant 0 : index
    %get3A_73 = arith.constant 0 : index
    %get3A_74 = vector.load %arg2[%get3A_72, %get3A_73] : memref<128x128xf32, #tpu.memory_space<vmem>>, vector<128x128xf32>
    %dot_general3A_75 = arith.constant dense<0.000000e+00> : vector<1024x128xf32>
    %dot_general3A_76 = tpu.matmul %mul3A_52, %get3A_74, %dot_general3A_75 {dimension_numbers = #tpu.dot_dimension_numbers<[1], [0], [0], [1], [0, 0, 1, 1], [], []>, transpose_lhs_hint = false} : vector<1024x128xf32>, vector<128x128xf32>, vector<1024x128xf32> -> vector<1024x128xf32>
    %sqrt3A = arith.constant 1.280000e+02 : f32
    %sqrt3A_77 = math.sqrt %sqrt3A : f32
    %div3A = arith.constant 1.000000e+00 : f32
    %div3A_78 = arith.divf %div3A, %sqrt3A_77 : f32
    %mul3A_79 = arith.mulf %dot_general3A_56, %dot_general3A_66 : vector<1024x128xf32>
    %reduce_sum3A = arith.constant dense<0.000000e+00> : vector<1024xf32>
    %reduce_sum3A_80 = vector.multi_reduction <add>, %mul3A_79, %reduce_sum3A [1] : vector<1024x128xf32> to vector<1024xf32>
    %broadcast_in_dim3A = vector.shape_cast %reduce_sum3A_80 : vector<1024xf32> to vector<1024x1xf32>
    %mul3A_81 = vector.broadcast %div3A_78 : f32 to vector<1024x1xf32>
    %mul3A_82 = arith.mulf %broadcast_in_dim3A, %mul3A_81 : vector<1024x1xf32>
    %mul3A_83 = arith.mulf %dot_general3A_56, %dot_general3A_71 : vector<1024x128xf32>
    %reduce_sum3A_84 = arith.constant dense<0.000000e+00> : vector<1024xf32>
    %reduce_sum3A_85 = vector.multi_reduction <add>, %mul3A_83, %reduce_sum3A_84 [1] : vector<1024x128xf32> to vector<1024xf32>
    %broadcast_in_dim3A_86 = vector.shape_cast %reduce_sum3A_85 : vector<1024xf32> to vector<1024x1xf32>
    %mul3A_87 = vector.broadcast %div3A_78 : f32 to vector<1024x1xf32>
    %mul3A_88 = arith.mulf %broadcast_in_dim3A_86, %mul3A_87 : vector<1024x1xf32>
    %mul3A_89 = arith.mulf %dot_general3A_56, %dot_general3A_76 : vector<1024x128xf32>
    %reduce_sum3A_90 = arith.constant dense<0.000000e+00> : vector<1024xf32>
    %reduce_sum3A_91 = vector.multi_reduction <add>, %mul3A_89, %reduce_sum3A_90 [1] : vector<1024x128xf32> to vector<1024xf32>
    %broadcast_in_dim3A_92 = vector.shape_cast %reduce_sum3A_91 : vector<1024xf32> to vector<1024x1xf32>
    %mul3A_93 = vector.broadcast %div3A_78 : f32 to vector<1024x1xf32>
    %mul3A_94 = arith.mulf %broadcast_in_dim3A_92, %mul3A_93 : vector<1024x1xf32>
    %max3A = arith.maximumf %mul3A_82, %mul3A_88 : vector<1024x1xf32>
    %max3A_95 = arith.maximumf %max3A, %mul3A_94 : vector<1024x1xf32>
    %sub3A = arith.subf %mul3A_82, %max3A_95 : vector<1024x1xf32>
    %exp3A = math.exp %sub3A : vector<1024x1xf32>
    %sub3A_96 = arith.subf %mul3A_88, %max3A_95 : vector<1024x1xf32>
    %exp3A_97 = math.exp %sub3A_96 : vector<1024x1xf32>
    %sub3A_98 = arith.subf %mul3A_94, %max3A_95 : vector<1024x1xf32>
    %exp3A_99 = math.exp %sub3A_98 : vector<1024x1xf32>
    %add3A_100 = arith.addf %exp3A, %exp3A_97 : vector<1024x1xf32>
    %add3A_101 = arith.addf %add3A_100, %exp3A_99 : vector<1024x1xf32>
    %mul3A_102 = vector.broadcast %exp3A : vector<1024x1xf32> to vector<1024x128xf32>
    %mul3A_103 = arith.mulf %mul3A_102, %mul3A_22 : vector<1024x128xf32>
    %add3A_104 = arith.constant 0.000000e+00 : f32
    %add3A_105 = vector.broadcast %add3A_104 : f32 to vector<1024x128xf32>
    %add3A_106 = arith.addf %add3A_105, %mul3A_103 : vector<1024x128xf32>
    %mul3A_107 = vector.broadcast %exp3A_97 : vector<1024x1xf32> to vector<1024x128xf32>
    %mul3A_108 = arith.mulf %mul3A_107, %mul3A_37 : vector<1024x128xf32>
    %add3A_109 = arith.addf %add3A_106, %mul3A_108 : vector<1024x128xf32>
    %mul3A_110 = vector.broadcast %exp3A_99 : vector<1024x1xf32> to vector<1024x128xf32>
    %mul3A_111 = arith.mulf %mul3A_110, %mul3A_52 : vector<1024x128xf32>
    %add3A_112 = arith.addf %add3A_109, %mul3A_111 : vector<1024x128xf32>
    %div3A_113 = vector.broadcast %add3A_101 : vector<1024x1xf32> to vector<1024x128xf32>
    %div3A_114 = arith.divf %add3A_112, %div3A_113 : vector<1024x128xf32>
    %add3A_115 = arith.addf %get3A_3, %div3A_114 : vector<1024x128xf32>
    %mul3A_116 = arith.mulf %dot_general3A_61, %dot_general3A_66 : vector<1024x128xf32>
    %reduce_sum3A_117 = arith.constant dense<0.000000e+00> : vector<1024xf32>
    %reduce_sum3A_118 = vector.multi_reduction <add>, %mul3A_116, %reduce_sum3A_117 [1] : vector<1024x128xf32> to vector<1024xf32>
    %broadcast_in_dim3A_119 = vector.shape_cast %reduce_sum3A_118 : vector<1024xf32> to vector<1024x1xf32>
    %mul3A_120 = vector.broadcast %div3A_78 : f32 to vector<1024x1xf32>
    %mul3A_121 = arith.mulf %broadcast_in_dim3A_119, %mul3A_120 : vector<1024x1xf32>
    %mul3A_122 = arith.mulf %dot_general3A_61, %dot_general3A_71 : vector<1024x128xf32>
    %reduce_sum3A_123 = arith.constant dense<0.000000e+00> : vector<1024xf32>
    %reduce_sum3A_124 = vector.multi_reduction <add>, %mul3A_122, %reduce_sum3A_123 [1] : vector<1024x128xf32> to vector<1024xf32>
    %broadcast_in_dim3A_125 = vector.shape_cast %reduce_sum3A_124 : vector<1024xf32> to vector<1024x1xf32>
    %mul3A_126 = vector.broadcast %div3A_78 : f32 to vector<1024x1xf32>
    %mul3A_127 = arith.mulf %broadcast_in_dim3A_125, %mul3A_126 : vector<1024x1xf32>
    %mul3A_128 = arith.mulf %dot_general3A_61, %dot_general3A_76 : vector<1024x128xf32>
    %reduce_sum3A_129 = arith.constant dense<0.000000e+00> : vector<1024xf32>
    %reduce_sum3A_130 = vector.multi_reduction <add>, %mul3A_128, %reduce_sum3A_129 [1] : vector<1024x128xf32> to vector<1024xf32>
    %broadcast_in_dim3A_131 = vector.shape_cast %reduce_sum3A_130 : vector<1024xf32> to vector<1024x1xf32>
    %mul3A_132 = vector.broadcast %div3A_78 : f32 to vector<1024x1xf32>
    %mul3A_133 = arith.mulf %broadcast_in_dim3A_131, %mul3A_132 : vector<1024x1xf32>
    %max3A_134 = arith.maximumf %mul3A_121, %mul3A_127 : vector<1024x1xf32>
    %max3A_135 = arith.maximumf %max3A_134, %mul3A_133 : vector<1024x1xf32>
    %sub3A_136 = arith.subf %mul3A_121, %max3A_135 : vector<1024x1xf32>
    %exp3A_137 = math.exp %sub3A_136 : vector<1024x1xf32>
    %sub3A_138 = arith.subf %mul3A_127, %max3A_135 : vector<1024x1xf32>
    %exp3A_139 = math.exp %sub3A_138 : vector<1024x1xf32>
    %sub3A_140 = arith.subf %mul3A_133, %max3A_135 : vector<1024x1xf32>
    %exp3A_141 = math.exp %sub3A_140 : vector<1024x1xf32>
    %add3A_142 = arith.addf %exp3A_137, %exp3A_139 : vector<1024x1xf32>
    %add3A_143 = arith.addf %add3A_142, %exp3A_141 : vector<1024x1xf32>
    %mul3A_144 = vector.broadcast %exp3A_137 : vector<1024x1xf32> to vector<1024x128xf32>
    %mul3A_145 = arith.mulf %mul3A_144, %mul3A_22 : vector<1024x128xf32>
    %add3A_146 = arith.constant 0.000000e+00 : f32
    %add3A_147 = vector.broadcast %add3A_146 : f32 to vector<1024x128xf32>
    %add3A_148 = arith.addf %add3A_147, %mul3A_145 : vector<1024x128xf32>
    %mul3A_149 = vector.broadcast %exp3A_139 : vector<1024x1xf32> to vector<1024x128xf32>
    %mul3A_150 = arith.mulf %mul3A_149, %mul3A_37 : vector<1024x128xf32>
    %add3A_151 = arith.addf %add3A_148, %mul3A_150 : vector<1024x128xf32>
    %mul3A_152 = vector.broadcast %exp3A_141 : vector<1024x1xf32> to vector<1024x128xf32>
    %mul3A_153 = arith.mulf %mul3A_152, %mul3A_52 : vector<1024x128xf32>
    %add3A_154 = arith.addf %add3A_151, %mul3A_153 : vector<1024x128xf32>
    %div3A_155 = vector.broadcast %add3A_143 : vector<1024x1xf32> to vector<1024x128xf32>
    %div3A_156 = arith.divf %add3A_154, %div3A_155 : vector<1024x128xf32>
    %add3A_157 = arith.addf %get3A_8, %div3A_156 : vector<1024x128xf32>
    %get3A_158 = arith.constant 0 : index
    %get3A_159 = arith.constant 0 : index
    %get3A_160 = vector.load %arg3[%get3A_158, %get3A_159] : memref<1x256xf32, #tpu.memory_space<vmem>>, vector<1x128xf32>
    %get3A_161 = vector.shape_cast %get3A_160 : vector<1x128xf32> to vector<128xf32>
    %broadcast_in_dim3A_162 = vector.shape_cast %get3A_161 : vector<128xf32> to vector<1x128xf32>
    %get3A_163 = arith.constant 0 : index
    %get3A_164 = arith.constant 128 : index
    %get3A_165 = vector.load %arg3[%get3A_163, %get3A_164] : memref<1x256xf32, #tpu.memory_space<vmem>>, vector<1x128xf32>
    %get3A_166 = vector.shape_cast %get3A_165 : vector<1x128xf32> to vector<128xf32>
    %broadcast_in_dim3A_167 = vector.shape_cast %get3A_166 : vector<128xf32> to vector<1x128xf32>
    %mul3A_168 = vector.broadcast %broadcast_in_dim3A_162 : vector<1x128xf32> to vector<1024x128xf32>
    %mul3A_169 = arith.mulf %add3A_115, %mul3A_168 : vector<1024x128xf32>
    %reduce_sum3A_170 = arith.constant dense<0.000000e+00> : vector<1024xf32>
    %reduce_sum3A_171 = vector.multi_reduction <add>, %mul3A_169, %reduce_sum3A_170 [1] : vector<1024x128xf32> to vector<1024xf32>
    %mul3A_172 = vector.broadcast %broadcast_in_dim3A_167 : vector<1x128xf32> to vector<1024x128xf32>
    %mul3A_173 = arith.mulf %add3A_157, %mul3A_172 : vector<1024x128xf32>
    %reduce_sum3A_174 = arith.constant dense<0.000000e+00> : vector<1024xf32>
    %reduce_sum3A_175 = vector.multi_reduction <add>, %mul3A_173, %reduce_sum3A_174 [1] : vector<1024x128xf32> to vector<1024xf32>
    %add3A_176 = arith.addf %reduce_sum3A_171, %reduce_sum3A_175 : vector<1024xf32>
    %get3A_177 = arith.constant 0 : index
    %get3A_178 = arith.constant 0 : index
    %get3A_179 = vector.load %arg4[%get3A_177, %get3A_178] : memref<1x1xf32, #tpu.memory_space<vmem>>, vector<1x1xf32>
    %get3A_180 = vector.extract %get3A_179[0, 0] : f32 from vector<1x1xf32>
    %add3A_181 = vector.broadcast %get3A_180 : f32 to vector<1024xf32>
    %add3A_182 = arith.addf %add3A_176, %add3A_181 : vector<1024xf32>
    %swap3A = arith.constant 0 : index
    %swap3A_183 = arith.constant 0 : index
    %swap3A_184 = vector.load %arg5[%swap3A, %swap3A_183] : memref<1x1024xf32, #tpu.memory_space<vmem>>, vector<1x1024xf32>
    %swap3A_185 = vector.shape_cast %swap3A_184 : vector<1x1024xf32> to vector<1024xf32>
    %swap3A_186 = vector.shape_cast %add3A_182 : vector<1024xf32> to vector<1x1024xf32>
    tpu.vector_store %arg5[%swap3A, %swap3A_183], %swap3A_186 {strides = array<i32>} : memref<1x1024xf32, #tpu.memory_space<vmem>>, vector<1x1024xf32>,
    return
  }
}

</mosaic_0001>

<sc_bundles>
// kernel: kernel.8.cloned.1.call-start
scs
__scs_entry_jumppad:
0x0: {  	(pc) =	sbr.rel $0x88, $3  }
0x1: {  	(tag) =	ssettag $0x0;
	lr =	simm.s32 $0x1  }
0x2: {  	[smem:$0x3F95] =	sst lr;
	_ =	strace $0xD0000000  }
0x3: {  	_ = 	snop  }
0x4: {  	_ = 	snop  }
0x5: {  	_ = 	snop  }
0x6: {  	_ = 	snop  }
0x7: {  	_ = 	snop  }
__scs_overlays_trampoline_lowered:
0x8: {  	[smem:$0x3FA4] =	sst s0  }
0x9: {  	[smem:$0x3FA5] =	sst s1  }
0xa: {  	[smem:$0x3FA6] =	sst s2  }
0xb: {  	[smem:$0x3FA7] =	sst s3  }
0xc: {  	[smem:$0x3FA8] =	sst s4  }
0xd: {  	[smem:$0x3FA9] =	sst s5  }
0xe: {  	[smem:$0x3FAA] =	sst s6  }
0xf: {  	[smem:$0x3FAB] =	sst s7  }
0x10: {  	[smem:$0x3FAC] =	sst s8  }
0x11: {  	[smem:$0x3FAD] =	sst s9;
	s0 =	simm.s32 @!p0 $0x0  }
0x12: {  	s1 =	sld [smem:$0x3F93];
	s0 =	simm.s32 @p0 $0x1  }
0x13: {  	[smem:$0x3FAE] =	sst s0;
	s0 =	simm.s32 @!p1 $0x0  }
0x14: {  	s2 =	sld [smem:$0x3F92];
	s0 =	simm.s32 @p1 $0x1  }
0x15: {  	[smem:$0x3FAF] =	sst s0;
	s0 =	simm.s32 @!p2 $0x0  }
0x16: {  	s3 =	sld [smem:$0x3FDB];
	s0 =	simm.s32 @p2 $0x1  }
0x17: {  	s4 =	simm.s32 $0x1BF5;
	[smem:$0x3FB1] =	sst s0  }
0x18: {  	s0 =	sld [smem:$0x3F94];
	_ =	swait.ge [sflag:s4], $0x0  }
0x19: {  	s7 =	sld [smem:$0x3F95]  }
0x1a: {  	s8 =	sadd.s32 $0xFFFFE003, lr  }
0x1b: {  	s9 =	sadd.s32 $0xFFFFFEF7, lr;
	s5 =	simm.s32 $0xFFFFFFFF;
	p2 =	slt.u32 s8, $0xFFFFF086  }
0x1c: {  	p1 =	slt.u32 s9, $0xF7A;
	s5 =	simm.s32 @!p2 $0x0  }
0x1d: {  	s5 =	simm.s32 @p1 $0x1;
	p0 =	seq.s32 s7, s2  }
0x1e: {  	s7 =	smul.u32 @!p0 $0xF7A, s2;
	p2 =	seq.s32 @!p0 s5, $0x0  }
0x1f: {  	s9 =	smul.u32 $0xF7A, s1;
	s8 =	simm.s32 @!p0 $0x1BF5;
	p2 =	por !p2, p0  }
0x20: {  	[sflag:s8] =	ssyncset.s32 @!p0 $0xFFFFF086;
	s6 =	sadd.s32 @!p0 s3, s7;
	s7 =	simm.s32 @!p0 $0x108  }
0x21: {  	s3 =	sadd.s32 s3, s9;
	s6 =	sadd.s32 @!p0 $0x88, s6;
	s7 =	simm.s32 @p2 $0x1082  }
0x22: {  	[simem:s7], [sflag:s8] =	dma.local @!p0 [hbm:s6], $0xF7A  }
0x23: {  	s9 =	sor.u32 $0xD0000000, s2;
	s6 =	simm.s32 $0x108;
	_ =	swait.ge @!p0 [sflag:s8], $0x0  }
0x24: {  	s3 =	sadd.s32 $0x88, s3;
	s6 =	simm.s32 @!p1 $0x1082;
	[sflag:s4] =	ssyncset.s32 $0xFFFFF086  }
0x25: {  	[simem:s6], [sflag:s4] =	dma.local [hbm:s3], $0xF7A  }
0x26: {  	[smem:$0x3F95] =	sst s1;
	(tag) =	ssettag s2;
	_ =	strace s9  }
0x27: {  	s1 =	sld [smem:$0x3FA5]  }
0x28: {  	s2 =	sld [smem:$0x3FA6]  }
0x29: {  	s4 =	sld [smem:$0x3FA8]  }
0x2a: {  	p0 =	seq.s32 s5, $0x0;
	s5 =	sld [smem:$0x3FA9]  }
0x2b: {  	s6 =	sld [smem:$0x3FAA]  }
0x2c: {  	s7 =	sld [smem:$0x3FAB]  }
0x2d: {  	s3 =	simm.s32 $0x108;
	s8 =	sld [smem:$0x3FAC]  }
0x2e: {  	s3 =	simm.s32 @!p0 $0x1082;
	s9 =	sld [smem:$0x3FAD]  }
0x2f: {  	lr =	sadd.s32 s0, s3;
	s0 =	sld [smem:$0x3FA4]  }
0x30: {  	s3 =	sld [smem:$0x3FA7]  }
0x31: {  	[smem:$0x3FB0] =	sst s10  }
0x32: {  	s10 =	sld [smem:$0x3FAE];
	_ =	sdelay $0x3  }
0x33: {  	p0 =	seq.s32 s10, $0x1;
	s10 =	sld [smem:$0x3FB0];
	_ =	sdelay $0x3  }
0x34: {  	[smem:$0x3FB0] =	sst s10  }
0x35: {  	s10 =	sld [smem:$0x3FAF];
	_ =	sdelay $0x3  }
0x36: {  	p1 =	seq.s32 s10, $0x1;
	s10 =	sld [smem:$0x3FB0];
	_ =	sdelay $0x3  }
0x37: {  	[smem:$0x3FB0] =	sst s10  }
0x38: {  	s10 =	sld [smem:$0x3FB1]  }
0x39: {  	_ = 	snop;
	(pc) =	sbr.ind lr, $3  }
0x3a: {  	_ = 	snop  }
0x3b: {  	_ = 	snop  }
0x3c: {  	p2 =	seq.s32 s10, $0x1;
	s10 =	sld [smem:$0x3FB0]  }
0x3d: {  	_ =	shalt  }
0x3e: {  	_ =	shalt  }
0x3f: {  	_ =	shalt  }
0x40: {  	_ =	shalt  }
0x41: {  	_ =	shalt  }
0x42: {  	_ =	shalt  }
0x43: {  	_ =	shalt  }
0x44: {  	_ =	shalt  }
0x45: {  	_ =	shalt  }
0x46: {  	_ =	shalt  }
0x47: {  	_ =	shalt  }
0x48: {  	_ =	shalt  }
0x49: {  	_ =	shalt  }
0x4a: {  	_ =	shalt  }
0x4b: {  	_ =	shalt  }
0x4c: {  	_ =	shalt  }
0x4d: {  	_ =	shalt  }
0x4e: {  	_ =	shalt  }
0x4f: {  	_ =	shalt  }
0x50: {  	_ =	shalt  }
0x51: {  	_ =	shalt  }
0x52: {  	_ =	shalt  }
0x53: {  	_ =	shalt  }
0x54: {  	_ =	shalt  }
0x55: {  	_ =	shalt  }
0x56: {  	_ =	shalt  }
0x57: {  	_ =	shalt  }
0x58: {  	_ =	shalt  }
0x59: {  	_ =	shalt  }
0x5a: {  	_ =	shalt  }
0x5b: {  	_ =	shalt  }
0x5c: {  	_ =	shalt  }
0x5d: {  	_ =	shalt  }
0x5e: {  	_ =	shalt  }
0x5f: {  	_ =	shalt  }
0x60: {  	_ =	shalt  }
0x61: {  	_ =	shalt  }
0x62: {  	_ =	shalt  }
0x63: {  	_ =	shalt  }
0x64: {  	_ =	shalt  }
0x65: {  	_ =	shalt  }
0x66: {  	_ =	shalt  }
0x67: {  	_ =	shalt  }
0x68: {  	_ =	shalt  }
0x69: {  	_ =	shalt  }
0x6a: {  	_ =	shalt  }
0x6b: {  	_ =	shalt  }
0x6c: {  	_ =	shalt  }
0x6d: {  	_ =	shalt  }
0x6e: {  	_ =	shalt  }
0x6f: {  	_ =	shalt  }
0x70: {  	_ =	shalt  }
0x71: {  	_ =	shalt  }
0x72: {  	_ =	shalt  }
0x73: {  	_ =	shalt  }
0x74: {  	_ =	shalt  }
0x75: {  	_ =	shalt  }
0x76: {  	_ =	shalt  }
0x77: {  	_ =	shalt  }
0x78: {  	_ =	shalt  }
0x79: {  	_ =	shalt  }
0x7a: {  	_ =	shalt  }
0x7b: {  	_ =	shalt  }
0x7c: {  	_ =	shalt  }
0x7d: {  	_ =	shalt  }
0x7e: {  	_ =	shalt  }
0x7f: {  	_ =	shalt  }
0x80: {  	_ =	shalt  }
0x81: {  	_ =	shalt  }
0x82: {  	_ =	shalt  }
0x83: {  	_ =	shalt  }
0x84: {  	_ =	shalt  }
0x85: {  	_ =	shalt  }
0x86: {  	_ =	shalt  }
0x87: {  	_ =	shalt  }
.Lfunc_end0:
.L_simem_size_0:
called_computation_lowered:
.L_overlay_start_0:
0x88: {  	s2 =	sld [smem:$0x3FD9]  }
0x89: {  	s3 =	sld [smem:$0x3FFE];
	_ =	sdelay $0x1  }
0x8a: {  	s1 =	srdreg.scid  }
0x8b: {  	s0 =	sand.u32 $0x1, s1  }
0x8c: {  	s17 =	sshll.u32 s0, $0xA;
	s2 =	sadd.s32 s3, s2  }
0x8d: {  	s2 =	sadd.s32 s2, s17  }
0x8e: {  	[smem:$0x3FBC] =	sst s2  }
0x8f: {  	_ = 	snop  }
0x90: {  	s2 =	sld [smem:$0x3FC8]  }
0x91: {  	s18 =	sld [smem:$0x3FC7];
	(tm) =	ssettm $0x1  }
0x92: {  	s4 =	sld [smem:$0x3FFB];
	_ =	sdelay $0x3  }
0x93: {  	_ =	strace s4  }
0x94: {  	s4 =	sld [smem:$0x3FFC];
	_ =	sdelay $0x3  }
0x95: {  	_ =	strace s4  }
0x96: {  	s4 =	sld [smem:$0x3FFD];
	_ =	sdelay $0x3  }
0x97: {  	_ =	strace s4  }
0x98: {  	_ =	strace $0x8FFFFFFF  }
0x99: {  	s19 =	sld [smem:$0x3FDB];
	_ =	sdelay $0x1  }
0x9a: {  	s5 =	simm.s32 $_scs_section_size  }
0x9b: {  	s6 =	simm.s32 $_size__tile_overlayer_lowered;
	s7 =	simm.s32 $_tile_overlayer_lowered  }
0x9c: {  	s22 =	simm.s32 $0x1BFF;
	s21 =	sshll.u32 s7, $0x1;
	s4 =	sadd.s32 s5, s19  }
0x9d: {  	s8 =	simm.s32 $0x0;
	s20 =	sshll.u32 s6, $0x1;
	s6 =	sadd.s32 s21, s4  }
0x9e: {  	[timem:s8], [sflag:s22] =	dma.local [hbm:s6], s20  }
0x9f: {  	_ =	swait.ge [sflag:s22], s20  }
0xa0: {  	s5 =	ssub.s32 $0x0, s20;
	[sflag:s22] =	ssyncset.done $0x0  }
0xa1: {  	[sflag:s22] =	ssyncadd.s32 s5;
	_ =	sdelay $0x1  }
0xa2: {  	s23 =	simm.s32 $0x1B8B  }
0xa3: {  	_ =	swait.ge [sflag:s23], $0x1  }
0xa4: {  	[sflag:s23] =	ssyncset.done $0x0  }
0xa5: {  	s25 =	simm.s32 $0x1B8E;
	s24 =	sld [smem:$0x3FFE];
	[sflag:s23] =	ssyncadd.s32 $0xFFFFFFFF  }
0xa6: {  	s26 =	simm.s32 $execute0_lowered;
	[smem:$0x3FD2] =	sst s25  }
0xa7: {  	s6 =	sshll.u32 s26, $0x1;
	_ =	strace $0x80000046;
	[dreg:$0x1] =	wrdreg $0xFFFFFFFF  }
0xa8: {  	s28 =	simm.s32 $_size_execute0_lowered;
	s4 =	sadd.s32 s4, s6;
	[dreg:$0x0] =	wrdreg $0x0  }
0xa9: {  	s6 =	sshll.u32 s28, $0x1;
	[dreg:$0x2] =	wrdreg s4  }
0xaa: {  	[dreg:$0x3] =	wrdreg s6  }
0xab: {  	[dreg:$0x4] =	wrdreg $0xC0  }
0xac: {  	_ =	task [dreg:s8], $0x5FFFF  }
0xad: {  	[dreg:$0x1] =	wrdreg $0xFFFFFFFF  }
0xae: {  	[dreg:$0x0] =	wrdreg $0x60  }
0xaf: {  	[dreg:$0x2] =	wrdreg s24  }
0xb0: {  	[dreg:$0x3] =	wrdreg s2  }
0xb1: {  	[dreg:$0x4] =	wrdreg s18  }
0xb2: {  	[dreg:$0x5] =	wrdreg $0x9  }
0xb3: {  	_ =	task.clear_ibuf [dreg:s8], $0x6FFFF;
	_ =	strace $0x90000046  }
0xb4: {  	s29 =	simm.s32 $0x9;
	_ =	strace $0x80000048  }
0xb5: {  	_ =	swait.ge [sflag:s29], $0x1  }
0xb6: {  	[sflag:s29] =	ssyncadd.s32 $0xFFFFFFFF  }
0xb7: {  	_ =	strace $0x90000048  }
0xb8: {  	_ =	sfence  }
0xb9: {  	s30 =	sld [smem:$0x0];
	_ =	sdelay $0x2  }
0xba: {  	s31 =	sshll.u32 s1, $0xD;
	s1 =	sshrl.u32 s1, $0x2  }
0xbb: {  	s3 =	sand.u32 $0x4000, s31;
	s1 =	sadd.s32 s1, s30  }
0xbc: {  	s0 =	sor.u32 s3, s0;
	s1 =	sshll.u32 s1, $0x11  }
0xbd: {  	s0 =	sor.u32 s1, s0  }
0xbe: {  	s0 =	sadd.s32 $0x8F2B, s0  }
0xbf: {  	[sflag:s0] =	ssyncadd.remote.s32 $0x1  }
0xc0: {  	_ =	sfence.sel $0xFFFF  }
0xc1: {  	[dreg:$0x0] =	wrdreg $0xFFFFFFFF;
	(pc) =	sbr.abs _section_cstart, $3  }
0xc2: {  	[dreg:$0x1] =	wrdreg $0xFFFFFFFF  }
0xc3: {  	_ =	task.clear_ibuf [dreg:s8], $0x2FFFF;
	_ =	strace $0x9FFFFFFF  }
0xc4: {  	(tm) =	ssettm $0x7FFFFFFF  }
0xc5: {  	_ =	shalt  }
tec
execute0_lowered:
.L_overlay_start_1:
0x0: {  	(tag) =	ssettag $0x1  }
0x1: {  	s20 =	rddreg [dreg:$0x0];
	s1 =	srdreg.scid  }
0x2: {  	s3 =	rddreg [dreg:$0x1];
	s0 =	stileid.u32;
	s28 =	sand.u32 $0x1, s1  }
0x3: {  	s5 =	rddreg [dreg:$0x2];
	s4 =	sshll.u32 s0, $0x6;
	s6 =	sshll.u32 s28, $0x5  }
0x4: {  	s2 =	simm.s32 $0x0;
	s1 =	rddreg [dreg:$0x3];
	s21 =	sor.u32 s6, s4  }
0x5: {  	[smem:$0x7FF] =	sst s2;
	s6 =	sshrl.u32 s21, $0x3  }
0x6: {  	_ =	strace $0x80000047;
	s4 =	sadd.s32 s3, s6;
	s3 =	simm.s32 $0x2  }
0x7: {  	[tilespmem:s2], [sflag:$0x2] =	stream.linear.gather [hbm4b:s4+s2], $0x20, $0x38;
	[tilespmem:$0x1400] =	vst v63  }
0x8: {  	_ =	swait.ge [sflag:s3], $0x20  }
0x9: {  	[sflag:s3] =	ssyncset.done $0x0  }
0xa: {  	s5 =	sadd.s32 s5, s6;
	s6 =	simm.s32 $0x80;
	[sflag:s3] =	ssyncadd.s32 $0xFFFFFFE0  }
0xb: {  	[tilespmem:s6], [sflag:$0x2] =	stream.linear.gather [hbm4b:s5+s2], $0x20, $0x38;
	[tilespmem:$0x1400] =	vst v63  }
0xc: {  	_ =	swait.ge [sflag:s3], $0x20  }
0xd: {  	s8 =	simm.s32 $0x20;
	s9 =	simm.s32 $0x100;
	[sflag:s3] =	ssyncset.done $0x0  }
0xe: {  	s10 =	simm.s32 $0x1;
	s7 =	sadd.s32 $0xC36A00, s20;
	[sflag:s3] =	ssyncadd.s32 $0xFFFFFFE0  }
0xf: {  	[tilespmem:s9], [sflag:$0x1] =	stream.indirect.gather [hbm4b:s7+s8], $0x1, s2, s8, $0xb8;
	[tilespmem:$0x1400] =	vst v63  }
0x10: {  	_ =	swait.ge [sflag:s10], $0x20  }
0x11: {  	[sflag:s10] =	ssyncset.done $0x0  }
0x12: {  	s12 =	simm.s32 $0x180;
	s11 =	sadd.s32 $0xC36400, s20;
	[sflag:s10] =	ssyncadd.s32 $0xFFFFFFE0  }
0x13: {  	[tilespmem:s12], [sflag:$0x1] =	stream.indirect.gather [hbm4b:s11+s8], $0x1, s2, s8, $0xb8;
	[tilespmem:$0x1400] =	vst v63  }
0x14: {  	_ =	swait.ge [sflag:s10], $0x20  }
0x15: {  	[sflag:s10] =	ssyncset.done $0x0  }
0x16: {  	s14 =	simm.s32 $0x200;
	s13 =	sadd.s32 $0xC35E00, s20;
	[sflag:s10] =	ssyncadd.s32 $0xFFFFFFE0  }
0x17: {  	[tilespmem:s14], [sflag:$0x1] =	stream.indirect.gather [hbm4b:s13+s8], $0x1, s2, s8, $0xb8;
	[tilespmem:$0x1400] =	vst v63  }
0x18: {  	_ =	swait.ge [sflag:s10], $0x20  }
0x19: {  	[sflag:s10] =	ssyncset.done $0x0  }
0x1a: {  	s15 =	simm.s32 $0x280;
	[sflag:s10] =	ssyncadd.s32 $0xFFFFFFE0  }
0x1b: {  	[tilespmem:s15], [sflag:$0x1] =	stream.indirect.gather [hbm4b:s7+s8], $0x1, s9, s8, $0xb8;
	[tilespmem:$0x1400] =	vst v63  }
0x1c: {  	_ =	swait.ge [sflag:s10], $0x20  }
0x1d: {  	[sflag:s10] =	ssyncset.done $0x0  }
0x1e: {  	s16 =	simm.s32 $0x300;
	[sflag:s10] =	ssyncadd.s32 $0xFFFFFFE0  }
0x1f: {  	[tilespmem:s16], [sflag:$0x1] =	stream.indirect.gather [hbm4b:s11+s8], $0x1, s12, s8, $0xb8;
	[tilespmem:$0x1400] =	vst v63  }
0x20: {  	_ =	swait.ge [sflag:s10], $0x20  }
0x21: {  	[sflag:s10] =	ssyncset.done $0x0  }
0x22: {  	s17 =	simm.s32 $0x380;
	[sflag:s10] =	ssyncadd.s32 $0xFFFFFFE0  }
0x23: {  	[tilespmem:s17], [sflag:$0x1] =	stream.indirect.gather [hbm4b:s13+s8], $0x1, s14, s8, $0xb8;
	[tilespmem:$0x1400] =	vst v63  }
0x24: {  	_ =	swait.ge [sflag:s10], $0x20  }
0x25: {  	[sflag:s10] =	ssyncset.done $0x0  }
0x26: {  	s19 =	simm.s32 $0x400;
	s18 =	sadd.s32 $0xE00, s20;
	[sflag:s10] =	ssyncadd.s32 $0xFFFFFFE0  }
0x27: {  	[tilespmem:s19], [sflag:$0x1] =	stream.indirect.gather [hbm4b:s18+s8], $0x80, s2, s8, $0xb8;
	[tilespmem:$0x1400] =	vst v63  }
0x28: {  	s21 =	sshll.u32 s21, $0x4;
	_ =	swait.ge [sflag:s10], $0x1000  }
0x29: {  	s29 =	sadd.s32 s21, s20;
	[sflag:s10] =	ssyncset.done $0x0  }
0x2a: {  	s20 =	sadd.s32 $0x28000, s29;
	[sflag:s10] =	ssyncadd.s32 $0xFFFFF000  }
0x2b: {  	[hbm4b:s20+s2] =	stream.linear.scatter [tilespmem:s19], [sflag:$0x2], $0x1000, $0x38;
	[tilespmem:$0x1400] =	vst v63  }
0x2c: {  	_ =	swait.ge [sflag:s3], $0x1000  }
0x2d: {  	[sflag:s3] =	ssyncset.done $0x0  }
0x2e: {  	[sflag:s3] =	ssyncadd.s32 $0xFFFFF000  }
0x2f: {  	[tilespmem:s19], [sflag:$0x1] =	stream.indirect.gather [hbm4b:s18+s8], $0x80, s6, s8, $0xb8;
	[tilespmem:$0x1400] =	vst v63  }
0x30: {  	_ =	swait.ge [sflag:s10], $0x1000  }
0x31: {  	[sflag:s10] =	ssyncset.done $0x0  }
0x32: {  	s21 =	sadd.s32 $0x2C000, s29;
	[sflag:s10] =	ssyncadd.s32 $0xFFFFF000  }
0x33: {  	[hbm4b:s21+s2] =	stream.linear.scatter [tilespmem:s19], [sflag:$0x2], $0x1000, $0x38;
	[tilespmem:$0x1400] =	vst v63  }
0x34: {  	_ =	swait.ge [sflag:s3], $0x1000  }
0x35: {  	[sflag:s3] =	ssyncset.done $0x0  }
0x36: {  	[sflag:s3] =	ssyncadd.s32 $0xFFFFF000  }
0x37: {  	[tilespmem:s19], [sflag:$0x1] =	stream.indirect.gather [hbm4b:s18+s8], $0x80, s9, s8, $0xb8;
	[tilespmem:$0x1400] =	vst v63  }
0x38: {  	_ =	swait.ge [sflag:s10], $0x1000  }
0x39: {  	[sflag:s10] =	ssyncset.done $0x0  }
0x3a: {  	s22 =	sadd.s32 $0x30000, s29;
	[sflag:s10] =	ssyncadd.s32 $0xFFFFF000  }
0x3b: {  	[hbm4b:s22+s2] =	stream.linear.scatter [tilespmem:s19], [sflag:$0x2], $0x1000, $0x38;
	[tilespmem:$0x1400] =	vst v63  }
0x3c: {  	_ =	swait.ge [sflag:s3], $0x1000  }
0x3d: {  	[sflag:s3] =	ssyncset.done $0x0  }
0x3e: {  	[sflag:s3] =	ssyncadd.s32 $0xFFFFF000  }
0x3f: {  	[tilespmem:s19], [sflag:$0x1] =	stream.indirect.gather [hbm4b:s18+s8], $0x80, s12, s8, $0xb8;
	[tilespmem:$0x1400] =	vst v63  }
0x40: {  	_ =	swait.ge [sflag:s10], $0x1000  }
0x41: {  	[sflag:s10] =	ssyncset.done $0x0  }
0x42: {  	s23 =	sadd.s32 $0x34000, s29;
	[sflag:s10] =	ssyncadd.s32 $0xFFFFF000  }
0x43: {  	[hbm4b:s23+s2] =	stream.linear.scatter [tilespmem:s19], [sflag:$0x2], $0x1000, $0x38;
	[tilespmem:$0x1400] =	vst v63  }
0x44: {  	_ =	swait.ge [sflag:s3], $0x1000  }
0x45: {  	[sflag:s3] =	ssyncset.done $0x0  }
0x46: {  	[sflag:s3] =	ssyncadd.s32 $0xFFFFF000  }
0x47: {  	[tilespmem:s19], [sflag:$0x1] =	stream.indirect.gather [hbm4b:s18+s8], $0x80, s14, s8, $0xb8;
	[tilespmem:$0x1400] =	vst v63  }
0x48: {  	_ =	swait.ge [sflag:s10], $0x1000  }
0x49: {  	[sflag:s10] =	ssyncset.done $0x0  }
0x4a: {  	s24 =	sadd.s32 $0x38000, s29;
	[sflag:s10] =	ssyncadd.s32 $0xFFFFF000  }
0x4b: {  	[hbm4b:s24+s2] =	stream.linear.scatter [tilespmem:s19], [sflag:$0x2], $0x1000, $0x38;
	[tilespmem:$0x1400] =	vst v63  }
0x4c: {  	_ =	swait.ge [sflag:s3], $0x1000  }
0x4d: {  	[sflag:s3] =	ssyncset.done $0x0  }
0x4e: {  	[sflag:s3] =	ssyncadd.s32 $0xFFFFF000  }
0x4f: {  	[tilespmem:s19], [sflag:$0x1] =	stream.indirect.gather [hbm4b:s18+s8], $0x80, s15, s8, $0xb8;
	[tilespmem:$0x1400] =	vst v63  }
0x50: {  	_ =	swait.ge [sflag:s10], $0x1000  }
0x51: {  	[sflag:s10] =	ssyncset.done $0x0  }
0x52: {  	s25 =	sadd.s32 $0x3C000, s29;
	[sflag:s10] =	ssyncadd.s32 $0xFFFFF000  }
0x53: {  	[hbm4b:s25+s2] =	stream.linear.scatter [tilespmem:s19], [sflag:$0x2], $0x1000, $0x38;
	[tilespmem:$0x1400] =	vst v63  }
0x54: {  	_ =	swait.ge [sflag:s3], $0x1000  }
0x55: {  	[sflag:s3] =	ssyncset.done $0x0  }
0x56: {  	[sflag:s3] =	ssyncadd.s32 $0xFFFFF000  }
0x57: {  	[tilespmem:s19], [sflag:$0x1] =	stream.indirect.gather [hbm4b:s18+s8], $0x80, s16, s8, $0xb8;
	[tilespmem:$0x1400] =	vst v63  }
0x58: {  	_ =	swait.ge [sflag:s10], $0x1000  }
0x59: {  	[sflag:s10] =	ssyncset.done $0x0  }
0x5a: {  	s28 =	ssub.s32 $0x2, s28;
	s26 =	sadd.s32 $0x40000, s29;
	[sflag:s10] =	ssyncadd.s32 $0xFFFFF000  }
0x5b: {  	[hbm4b:s26+s2] =	stream.linear.scatter [tilespmem:s19], [sflag:$0x2], $0x1000, $0x38;
	[tilespmem:$0x1400] =	vst v63  }
0x5c: {  	s30 =	sshrl.u32 s28, $0x1;
	_ =	swait.ge [sflag:s3], $0x1000  }
0x5d: {  	s30 =	ssub.s32 s28, s30;
	[sflag:s3] =	ssyncset.done $0x0  }
0x5e: {  	s28 =	sadd.s32 $0x44000, s29;
	s29 =	smax.u32 s30, $0x1;
	[sflag:s3] =	ssyncadd.s32 $0xFFFFF000  }
0x5f: {  	[tilespmem:s19], [sflag:$0x1] =	stream.indirect.gather [hbm4b:s18+s8], $0x80, s17, s8, $0xb8;
	[tilespmem:$0x1400] =	vst v63  }
0x60: {  	p0 =	sne.s32 s29, $0x1;
	_ =	swait.ge [sflag:s10], $0x1000  }
.Ltmp0:
0x61: {  	[sflag:s10] =	ssyncset.done $0x0;
	(pc) =	sbr.rel @!p0 .LBB2_2-.Ltmp0, $4  }
0x62: {  	[sflag:s10] =	ssyncadd.s32 $0xFFFFF000  }
0x63: {  	[hbm4b:s28+s2] =	stream.linear.scatter [tilespmem:s19], [sflag:$0x2], $0x1000, $0x38;
	[tilespmem:$0x1400] =	vst v63  }
0x64: {  	_ =	swait.ge [sflag:s3], $0x1000  }
0x65: {  	s29 =	sadd.s32 $0xFFFFFFFF, s29;
	[sflag:s3] =	ssyncset.done $0x0  }
.LBB2_1:
0x66: {  	p0 =	sne.s32 s29, $0x1;
	s29 =	sadd.s32 $0xFFFFFFFF, s29;
	[sflag:s3] =	ssyncadd.s32 $0xFFFFF000  }
0x67: {  	[tilespmem:s2], [sflag:$0x2] =	stream.linear.gather [hbm4b:s4+s2], $0x20, $0x38;
	[tilespmem:$0x1400] =	vst v63  }
0x68: {  	_ =	swait.ge [sflag:s3], $0x20  }
0x69: {  	[sflag:s3] =	ssyncset.done $0x0  }
0x6a: {  	[sflag:s3] =	ssyncadd.s32 $0xFFFFFFE0  }
0x6b: {  	[tilespmem:s6], [sflag:$0x2] =	stream.linear.gather [hbm4b:s5+s2], $0x20, $0x38;
	[tilespmem:$0x1400] =	vst v63  }
0x6c: {  	_ =	swait.ge [sflag:s3], $0x20  }
0x6d: {  	[sflag:s3] =	ssyncset.done $0x0  }
0x6e: {  	[sflag:s3] =	ssyncadd.s32 $0xFFFFFFE0  }
0x6f: {  	[tilespmem:s9], [sflag:$0x1] =	stream.indirect.gather [hbm4b:s7+s8], $0x1, s2, s8, $0xb8;
	[tilespmem:$0x1400] =	vst v63  }
0x70: {  	_ =	swait.ge [sflag:s10], $0x20  }
0x71: {  	[sflag:s10] =	ssyncset.done $0x0  }
0x72: {  	[sflag:s10] =	ssyncadd.s32 $0xFFFFFFE0  }
0x73: {  	[tilespmem:s12], [sflag:$0x1] =	stream.indirect.gather [hbm4b:s11+s8], $0x1, s2, s8, $0xb8;
	[tilespmem:$0x1400] =	vst v63  }
0x74: {  	_ =	swait.ge [sflag:s10], $0x20  }
0x75: {  	[sflag:s10] =	ssyncset.done $0x0  }
0x76: {  	[sflag:s10] =	ssyncadd.s32 $0xFFFFFFE0  }
0x77: {  	[tilespmem:s14], [sflag:$0x1] =	stream.indirect.gather [hbm4b:s13+s8], $0x1, s2, s8, $0xb8;
	[tilespmem:$0x1400] =	vst v63  }
0x78: {  	_ =	swait.ge [sflag:s10], $0x20  }
0x79: {  	[sflag:s10] =	ssyncset.done $0x0  }
0x7a: {  	[sflag:s10] =	ssyncadd.s32 $0xFFFFFFE0  }
0x7b: {  	[tilespmem:s15], [sflag:$0x1] =	stream.indirect.gather [hbm4b:s7+s8], $0x1, s9, s8, $0xb8;
	[tilespmem:$0x1400] =	vst v63  }
0x7c: {  	_ =	swait.ge [sflag:s10], $0x20  }
0x7d: {  	[sflag:s10] =	ssyncset.done $0x0  }
0x7e: {  	[sflag:s10] =	ssyncadd.s32 $0xFFFFFFE0  }
0x7f: {  	[tilespmem:s16], [sflag:$0x1] =	stream.indirect.gather [hbm4b:s11+s8], $0x1, s12, s8, $0xb8;
	[tilespmem:$0x1400] =	vst v63  }
0x80: {  	_ =	swait.ge [sflag:s10], $0x20  }
0x81: {  	[sflag:s10] =	ssyncset.done $0x0  }
0x82: {  	[sflag:s10] =	ssyncadd.s32 $0xFFFFFFE0  }
0x83: {  	[tilespmem:s17], [sflag:$0x1] =	stream.indirect.gather [hbm4b:s13+s8], $0x1, s14, s8, $0xb8;
	[tilespmem:$0x1400] =	vst v63  }
0x84: {  	_ =	swait.ge [sflag:s10], $0x20  }
0x85: {  	[sflag:s10] =	ssyncset.done $0x0  }
0x86: {  	[sflag:s10] =	ssyncadd.s32 $0xFFFFFFE0  }
0x87: {  	[tilespmem:s19], [sflag:$0x1] =	stream.indirect.gather [hbm4b:s18+s8], $0x80, s2, s8, $0xb8;
	[tilespmem:$0x1400] =	vst v63  }
0x88: {  	_ =	swait.ge [sflag:s10], $0x1000  }
0x89: {  	[sflag:s10] =	ssyncset.done $0x0  }
0x8a: {  	[sflag:s10] =	ssyncadd.s32 $0xFFFFF000  }
0x8b: {  	[hbm4b:s20+s2] =	stream.linear.scatter [tilespmem:s19], [sflag:$0x2], $0x1000, $0x38;
	[tilespmem:$0x1400] =	vst v63  }
0x8c: {  	_ =	swait.ge [sflag:s3], $0x1000  }
0x8d: {  	[sflag:s3] =	ssyncset.done $0x0  }
0x8e: {  	[sflag:s3] =	ssyncadd.s32 $0xFFFFF000  }
0x8f: {  	[tilespmem:s19], [sflag:$0x1] =	stream.indirect.gather [hbm4b:s18+s8], $0x80, s6, s8, $0xb8;
	[tilespmem:$0x1400] =	vst v63  }
0x90: {  	_ =	swait.ge [sflag:s10], $0x1000  }
0x91: {  	[sflag:s10] =	ssyncset.done $0x0  }
0x92: {  	[sflag:s10] =	ssyncadd.s32 $0xFFFFF000  }
0x93: {  	[hbm4b:s21+s2] =	stream.linear.scatter [tilespmem:s19], [sflag:$0x2], $0x1000, $0x38;
	[tilespmem:$0x1400] =	vst v63  }
0x94: {  	_ =	swait.ge [sflag:s3], $0x1000  }
0x95: {  	[sflag:s3] =	ssyncset.done $0x0  }
0x96: {  	[sflag:s3] =	ssyncadd.s32 $0xFFFFF000  }
0x97: {  	[tilespmem:s19], [sflag:$0x1] =	stream.indirect.gather [hbm4b:s18+s8], $0x80, s9, s8, $0xb8;
	[tilespmem:$0x1400] =	vst v63  }
0x98: {  	_ =	swait.ge [sflag:s10], $0x1000  }
0x99: {  	[sflag:s10] =	ssyncset.done $0x0  }
0x9a: {  	[sflag:s10] =	ssyncadd.s32 $0xFFFFF000  }
0x9b: {  	[hbm4b:s22+s2] =	stream.linear.scatter [tilespmem:s19], [sflag:$0x2], $0x1000, $0x38;
	[tilespmem:$0x1400] =	vst v63  }
0x9c: {  	_ =	swait.ge [sflag:s3], $0x1000  }
0x9d: {  	[sflag:s3] =	ssyncset.done $0x0  }
0x9e: {  	[sflag:s3] =	ssyncadd.s32 $0xFFFFF000  }
0x9f: {  	[tilespmem:s19], [sflag:$0x1] =	stream.indirect.gather [hbm4b:s18+s8], $0x80, s12, s8, $0xb8;
	[tilespmem:$0x1400] =	vst v63  }
0xa0: {  	_ =	swait.ge [sflag:s10], $0x1000  }
0xa1: {  	[sflag:s10] =	ssyncset.done $0x0  }
0xa2: {  	[sflag:s10] =	ssyncadd.s32 $0xFFFFF000  }
0xa3: {  	[hbm4b:s23+s2] =	stream.linear.scatter [tilespmem:s19], [sflag:$0x2], $0x1000, $0x38;
	[tilespmem:$0x1400] =	vst v63  }
0xa4: {  	_ =	swait.ge [sflag:s3], $0x1000  }
0xa5: {  	[sflag:s3] =	ssyncset.done $0x0  }
0xa6: {  	[sflag:s3] =	ssyncadd.s32 $0xFFFFF000  }
0xa7: {  	[tilespmem:s19], [sflag:$0x1] =	stream.indirect.gather [hbm4b:s18+s8], $0x80, s14, s8, $0xb8;
	[tilespmem:$0x1400] =	vst v63  }
0xa8: {  	_ =	swait.ge [sflag:s10], $0x1000  }
0xa9: {  	[sflag:s10] =	ssyncset.done $0x0  }
0xaa: {  	[sflag:s10] =	ssyncadd.s32 $0xFFFFF000  }
0xab: {  	[hbm4b:s24+s2] =	stream.linear.scatter [tilespmem:s19], [sflag:$0x2], $0x1000, $0x38;
	[tilespmem:$0x1400] =	vst v63  }
0xac: {  	_ =	swait.ge [sflag:s3], $0x1000  }
0xad: {  	[sflag:s3] =	ssyncset.done $0x0  }
0xae: {  	[sflag:s3] =	ssyncadd.s32 $0xFFFFF000  }
0xaf: {  	[tilespmem:s19], [sflag:$0x1] =	stream.indirect.gather [hbm4b:s18+s8], $0x80, s15, s8, $0xb8;
	[tilespmem:$0x1400] =	vst v63  }
0xb0: {  	_ =	swait.ge [sflag:s10], $0x1000  }
0xb1: {  	[sflag:s10] =	ssyncset.done $0x0  }
0xb2: {  	[sflag:s10] =	ssyncadd.s32 $0xFFFFF000  }
0xb3: {  	[hbm4b:s25+s2] =	stream.linear.scatter [tilespmem:s19], [sflag:$0x2], $0x1000, $0x38;
	[tilespmem:$0x1400] =	vst v63  }
0xb4: {  	_ =	swait.ge [sflag:s3], $0x1000  }
0xb5: {  	[sflag:s3] =	ssyncset.done $0x0  }
0xb6: {  	[sflag:s3] =	ssyncadd.s32 $0xFFFFF000  }
0xb7: {  	[tilespmem:s19], [sflag:$0x1] =	stream.indirect.gather [hbm4b:s18+s8], $0x80, s16, s8, $0xb8;
	[tilespmem:$0x1400] =	vst v63  }
0xb8: {  	_ =	swait.ge [sflag:s10], $0x1000  }
0xb9: {  	[sflag:s10] =	ssyncset.done $0x0  }
0xba: {  	[sflag:s10] =	ssyncadd.s32 $0xFFFFF000  }
0xbb: {  	[hbm4b:s26+s2] =	stream.linear.scatter [tilespmem:s19], [sflag:$0x2], $0x1000, $0x38;
	[tilespmem:$0x1400] =	vst v63  }
0xbc: {  	_ =	swait.ge [sflag:s3], $0x1000  }
0xbd: {  	[sflag:s3] =	ssyncset.done $0x0  }
0xbe: {  	[sflag:s3] =	ssyncadd.s32 $0xFFFFF000  }
0xbf: {  	[tilespmem:s19], [sflag:$0x1] =	stream.indirect.gather [hbm4b:s18+s8], $0x80, s17, s8, $0xb8;
	[tilespmem:$0x1400] =	vst v63  }
0xc0: {  	_ =	swait.ge [sflag:s10], $0x1000  }
.Ltmp1:
0xc1: {  	[sflag:s10] =	ssyncset.done $0x0;
	(pc) =	sbr.rel @p0 .LBB2_1-.Ltmp1, $4  }
0xc2: {  	[sflag:s10] =	ssyncadd.s32 $0xFFFFF000  }
0xc3: {  	[hbm4b:s28+s2] =	stream.linear.scatter [tilespmem:s19], [sflag:$0x2], $0x1000, $0x38;
	[tilespmem:$0x1400] =	vst v63  }
0xc4: {  	_ =	swait.ge [sflag:s3], $0x1000  }
0xc5: {  	[sflag:s3] =	ssyncset.done $0x0  }
.LBB2_2:
0xc6: {  	[sflag:s3] =	ssyncadd.s32 $0xFFFFF000  }
0xc7: {  	_ =	sfence.sel $0x180000  }
0xc8: {  	[bflag:$0x0] =	sbarrier.arrive $0xFFFF  }
0xc9: {  	p0 =	sne.s32 s0, $0x0;
	_ =	strace $0x90000047  }
0xca: {  	s0 =	sadd.s32 @!p0 $0x100000, s1;
	[bflag:$0x2] =	sbarrier.arrive $0xFFFF  }
0xcb: {  	[sflag:s0] =	ssyncadd.tile.s32 @!p0 $0x1;
	_ =	shalt  }
.Lfunc_end2:
_tile_overlayer_lowered:
.L_overlay_start_2:
0xcc: {  	(tag) =	ssettag $0x2  }
0xcd: {  	s0 =	rddreg [dreg:$0x0];
	s2 =	stileid.u32  }
0xce: {  	s1 =	rddreg [dreg:$0x1];
	p0 =	sne.s32 s2, $0x0  }
0xcf: {  	s3 =	rddreg [dreg:$0x2];
	[bflag:$0x3] =	sbarrier.arrive $0xFFFF;
	s2 =	simm.s32 @!p0 $0x1C02  }
0xd0: {  	[timem:s3], [sflag:s2] =	dma.local @!p0 [hbm:s0], s1  }
0xd1: {  	s0 =	simm.s32 @!p0 $0x2  }
0xd2: {  	_ =	swait.ge @!p0 [sflag:s0], s1  }
0xd3: {  	s1 =	ssub.s32 @!p0 $0x0, s1;
	[sflag:s0] =	ssyncset.done @!p0 $0x0  }
0xd4: {  	[sflag:s0] =	ssyncadd.s32 @!p0 s1  }
0xd5: {  	[bflag:$0x3] =	sbarrier.arrive $0xFFFF  }
0xd6: {  	_ =	shalt  }

</sc_bundles>
